<compile_context>
chip_gen: v7x
topology: tpu7x:2x2x1
jax: 0.10.2.dev20260603
libtpu: 0.0.44.dev20260713+nightly
codegen_flags: <defaults>
</compile_context>

<pallas_src>
import functools

import jax
import jax.numpy as jnp
from jax import lax
from jax.experimental import pallas as pl
from jax.experimental.pallas import tpu as pltpu
from jax.experimental.pallas import tpu_sc as plsc

N = 10000
D = 128
E = 320000
HID = 128
DW = 16

NC = 2
NS = 16
NW = NC * NS
EPW = E // NW
ECH = 40
NECH = EPW // ECH
NBUF = 5
NGRP = NECH // NBUF
RCH = 40
NRCH = N // RCH
RK = (NRCH + NS - 1) // NS

BLK = 2000
GRID = N // BLK


def _sc_aggregate(x, ei, z128, z16, ones16):
    mesh = plsc.VectorSubcoreMesh(core_axis_name="c", subcore_axis_name="s")

    @functools.partial(
        pl.kernel,
        out_type=(jax.ShapeDtypeStruct((2 * N, D), jnp.float32),
                  jax.ShapeDtypeStruct((2 * N, D), jnp.float32)),
        mesh=mesh,
        compiler_params=pltpu.CompilerParams(use_tc_tiling_on_sc=False),
        scratch_types=[
            [pltpu.VMEM((2, ECH), jnp.int32) for _ in range(NBUF)],
            [pltpu.VMEM((2, ECH), jnp.int32) for _ in range(NBUF)],
            [pltpu.VMEM((ECH, D), jnp.float32) for _ in range(NBUF)],
            pltpu.VMEM((ECH, DW), jnp.float32),
            pltpu.VMEM((RCH, D), jnp.float32),
            pltpu.VMEM((RCH, DW), jnp.float32),
            pltpu.VMEM_SHARED((N, D), jnp.float32),
            pltpu.VMEM_SHARED((N, DW), jnp.float32),
            [pltpu.SemaphoreType.DMA for _ in range(NBUF)],
            [pltpu.SemaphoreType.DMA for _ in range(NBUF)],
            [pltpu.SemaphoreType.DMA for _ in range(NBUF)],
            [pltpu.SemaphoreType.DMA for _ in range(NBUF)],
        ],
    )
    def sc_kernel(x_hbm, ei_hbm, z128_hbm, z16_hbm, ones_hbm,
                  outv_hbm, outd_hbm,
                  crA, crB, bufs, onesb, z128b, z16b,
                  acc_sh, dacc_sh, iA, iB, gsem, ssem):
        cid = lax.axis_index("c")
        sid = lax.axis_index("s")
        wid = sid * NC + cid
        ebase = wid * EPW

        def fire_idx(i, crb, sem):
            off = ebase + i * ECH
            pltpu.async_copy(ei_hbm.at[:, pl.ds(off, ECH)], crb, sem)

        def wait_idx(i, crb, sem):
            off = ebase + i * ECH
            pltpu.make_async_copy(ei_hbm.at[:, pl.ds(off, ECH)], crb, sem).wait()

        def fire_gather(crb, buf, sem):
            pltpu.async_copy(x_hbm.at[crb.at[1]], buf, sem)

        def wait_gather(crb, buf, sem):
            pltpu.make_async_copy(x_hbm.at[crb.at[1]], buf, sem).wait()

        for b in range(NBUF):
            fire_idx(b, crA[b], iA[b])
            fire_idx(b + NBUF, crB[b], iB[b])
        pltpu.sync_copy(z128_hbm, z128b)
        pltpu.sync_copy(z16_hbm, z16b)
        pltpu.sync_copy(ones_hbm, onesb)
        for b in range(NBUF):
            wait_idx(b, crA[b], iA[b])
            fire_gather(crA[b], bufs[b], gsem[b])

        def zero_body(k, _):
            c = sid + k * NS

            @pl.when(c < NRCH)
            def _():
                pltpu.sync_copy(z128b, acc_sh.at[pl.ds(c * RCH, RCH)])
                pltpu.sync_copy(z16b, dacc_sh.at[pl.ds(c * RCH, RCH)])
            return _

        lax.fori_loop(0, RK, zero_body, None)
        plsc.subcore_barrier()

        def half(base, crX, crY, isX, isY):
            for b in range(NBUF):
                wait_gather(crX[b], bufs[b], gsem[b])
                pltpu.async_copy(bufs[b], acc_sh.at[crX[b].at[0]], ssem[b],
                                 add=True)
                pltpu.async_copy(onesb, dacc_sh.at[crX[b].at[0]], ssem[b],
                                 add=True)
            for b in range(NBUF):
                i = base + b
                pltpu.make_async_copy(bufs[b], acc_sh.at[crX[b].at[0]],
                                      ssem[b]).wait()
                pltpu.make_async_copy(onesb, dacc_sh.at[crX[b].at[0]],
                                      ssem[b]).wait()

                @pl.when(i + 2 * NBUF < NECH)
                def _():
                    fire_idx(i + 2 * NBUF, crX[b], isX[b])

                @pl.when(i + NBUF < NECH)
                def _():
                    wait_idx(i + NBUF, crY[b], isY[b])
                    fire_gather(crY[b], bufs[b], gsem[b])

        def pair(gg, _):
            base0 = gg * 2 * NBUF
            half(base0, crA, crB, iA, iB)
            half(base0 + NBUF, crB, crA, iB, iA)
            return _

        lax.fori_loop(0, NGRP // 2, pair, None)
        plsc.subcore_barrier()

        def wb_body(k, _):
            c = sid + k * NS

            @pl.when(c < NRCH)
            def _():
                pltpu.sync_copy(acc_sh.at[pl.ds(c * RCH, RCH)], z128b)
                pltpu.sync_copy(z128b,
                                outv_hbm.at[pl.ds(cid * N + c * RCH, RCH)])
                pltpu.sync_copy(dacc_sh.at[pl.ds(c * RCH, RCH)], z16b)
                pltpu.sync_copy(z16b,
                                outd_hbm.at[pl.ds(cid * N + c * RCH, RCH),
                                            pl.ds(0, DW)])
            return _

        lax.fori_loop(0, RK, wb_body, None)

    return sc_kernel(x, ei, z128, z16, ones16)


def _mlp_body(x_ref, v0_ref, v1_ref, d0_ref, d1_ref,
              w1_ref, b1_ref, w2_ref, b2_ref,
              w3_ref, b3_ref, w4_ref, b4_ref, out_ref):
    def matt(a, w):
        return lax.dot_general(a, w, (((1,), (1,)), ((), ())),
                               preferred_element_type=jnp.float32)

    s = v0_ref[...] + v1_ref[...]
    deg = jnp.maximum(d0_ref[:, :1] + d1_ref[:, :1], 1.0)
    agg = s / deg
    h = jnp.concatenate([x_ref[...], agg], axis=1)
    h = jnp.maximum(matt(h, w1_ref[...]) + b1_ref[...], 0.0)
    h = jnp.maximum(matt(h, w2_ref[...]) + b2_ref[...], 0.0)
    h = jnp.maximum(matt(h, w3_ref[...]) + b3_ref[...], 0.0)
    out_ref[...] = matt(h, w4_ref[...]) + b4_ref[...]


def _tc_mlp(x, pv, pd, w1, b1, w2, b2, w3, b3, w4, b4):
    def wspec(shape):
        return pl.BlockSpec(shape, lambda i: (0, 0))

    return pl.pallas_call(
        _mlp_body,
        grid=(GRID,),
        in_specs=[
            pl.BlockSpec((BLK, D), lambda i: (i, 0)),
            pl.BlockSpec((BLK, D), lambda i: (i, 0)),
            pl.BlockSpec((BLK, D), lambda i: (i + GRID, 0)),
            pl.BlockSpec((BLK, D), lambda i: (i, 0)),
            pl.BlockSpec((BLK, D), lambda i: (i + GRID, 0)),
            wspec((HID, 2 * D)), wspec((1, HID)),
            wspec((HID, HID)), wspec((1, HID)),
            wspec((HID, HID)), wspec((1, HID)),
            wspec((D, HID)), wspec((1, D)),
        ],
        out_specs=pl.BlockSpec((BLK, D), lambda i: (i, 0)),
        out_shape=jax.ShapeDtypeStruct((N, D), jnp.float32),
    )(x, pv, pv, pd, pd, w1, b1, w2, b2, w3, b3, w4, b4)


def kernel(x, edge_index, W1, b1, W2, b2, W3, b3, W4, b4):
    ei = edge_index.astype(jnp.int32)
    z128 = jnp.zeros((RCH, D), jnp.float32)
    z16 = jnp.zeros((RCH, DW), jnp.float32)
    ones16 = jnp.ones((ECH, DW), jnp.float32)

    pv, pd = _sc_aggregate(x, ei, z128, z16, ones16)

    return _tc_mlp(
        x, pv, pd,
        W1, b1.reshape(1, HID),
        W2, b2.reshape(1, HID),
        W3, b3.reshape(1, HID),
        W4, b4.reshape(1, D),
    )

# --- scband reference (transcript-rebuilt; emitter-appended) ---
"""Pipeline reference for scband-simple-corrector-7352984011301 (READ-ONLY COPY).

The authoritative reference and input builder live on the scoring server;
editing this copy changes nothing except your own understanding.
"""

import jax, jax.numpy as jnp
import numpy as np

N = 10000
D = 128
E = 320000
HID = 128

def setup_inputs(seed: int = 0) -> dict:
    key = jax.random.key(seed)
    ks = jax.random.split(key, 12)
    x = jax.random.normal(ks[0], (N, D), dtype=jnp.float32)
    edge_index = jax.random.randint(ks[1], (2, E), 0, N)
    # MLP params (torch nn.Linear layout: W[out, in], b[out])
    W1 = jax.random.normal(ks[2], (HID, 2 * D), dtype=jnp.float32) * 0.05
    b1 = jnp.zeros((HID,), dtype=jnp.float32)
    W2 = jax.random.normal(ks[3], (HID, HID), dtype=jnp.float32) * 0.05
    b2 = jnp.zeros((HID,), dtype=jnp.float32)
    W3 = jax.random.normal(ks[4], (HID, HID), dtype=jnp.float32) * 0.05
    b3 = jnp.zeros((HID,), dtype=jnp.float32)
    W4 = jax.random.normal(ks[5], (D, HID), dtype=jnp.float32) * 0.05
    b4 = jnp.zeros((D,), dtype=jnp.float32)
    return {"x": x, "edge_index": edge_index, "W1": W1, "b1": b1, "W2": W2, "b2": b2, "W3": W3, "b3": b3, "W4": W4, "b4": b4}

def reference(x, edge_index, W1, b1, W2, b2, W3, b3, W4, b4):
    row = edge_index[0]
    col = edge_index[1]
    n = x.shape[0]
    # scatter-add aggregation: agg.index_add_(0, row, x[col])
    agg = jnp.zeros_like(x).at[row].add(x[col])
    deg = jnp.bincount(row, length=n).astype(x.dtype)
    deg = jnp.maximum(deg, 1.0)[:, None]
    agg = agg / deg
    h = jnp.concatenate([x, agg], axis=1)
    h = jax.nn.relu(h @ W1.T + b1)
    h = jax.nn.relu(h @ W2.T + b2)
    h = jax.nn.relu(h @ W3.T + b3)
    out = h @ W4.T + b4
    return out

if __name__ == "__main__":
    import jax
    _d = setup_inputs()
    print(jax.jit(kernel)(*tuple(_d.values())))

</pallas_src>

<mosaic_0001>
#map = affine_map<(d0, d1) -> (0, 0)>
module attributes {stable_mosaic.version = 14 : i64} {
  func.func @sc_kernel(%arg0: i32, %arg1: i32, %arg2: memref<10000x128xf32, #tpu.memory_space<hbm>>, %arg3: memref<2x320000xi32, #tpu.memory_space<hbm>>, %arg4: memref<40x128xf32, #tpu.memory_space<hbm>>, %arg5: memref<40x16xf32, #tpu.memory_space<hbm>>, %arg6: memref<40x16xf32, #tpu.memory_space<hbm>>, %arg7: memref<20000x128xf32, #tpu.memory_space<hbm>>, %arg8: memref<20000x128xf32, #tpu.memory_space<hbm>>, %arg9: memref<2x40xi32, #tpu.memory_space<vmem>>, %arg10: memref<2x40xi32, #tpu.memory_space<vmem>>, %arg11: memref<2x40xi32, #tpu.memory_space<vmem>>, %arg12: memref<2x40xi32, #tpu.memory_space<vmem>>, %arg13: memref<2x40xi32, #tpu.memory_space<vmem>>, %arg14: memref<2x40xi32, #tpu.memory_space<vmem>>, %arg15: memref<2x40xi32, #tpu.memory_space<vmem>>, %arg16: memref<2x40xi32, #tpu.memory_space<vmem>>, %arg17: memref<2x40xi32, #tpu.memory_space<vmem>>, %arg18: memref<2x40xi32, #tpu.memory_space<vmem>>, %arg19: memref<40x128xf32, #tpu.memory_space<vmem>>, %arg20: memref<40x128xf32, #tpu.memory_space<vmem>>, %arg21: memref<40x128xf32, #tpu.memory_space<vmem>>, %arg22: memref<40x128xf32, #tpu.memory_space<vmem>>, %arg23: memref<40x128xf32, #tpu.memory_space<vmem>>, %arg24: memref<40x16xf32, #tpu.memory_space<vmem>>, %arg25: memref<40x128xf32, #tpu.memory_space<vmem>>, %arg26: memref<40x16xf32, #tpu.memory_space<vmem>>, %arg27: memref<10000x128xf32, #tpu.memory_space<vmem_shared>>, %arg28: memref<10000x16xf32, #tpu.memory_space<vmem_shared>>, %arg29: memref<!tpu.dma_semaphore, #tpu.memory_space<semaphore_mem>>, %arg30: memref<!tpu.dma_semaphore, #tpu.memory_space<semaphore_mem>>, %arg31: memref<!tpu.dma_semaphore, #tpu.memory_space<semaphore_mem>>, %arg32: memref<!tpu.dma_semaphore, #tpu.memory_space<semaphore_mem>>, %arg33: memref<!tpu.dma_semaphore, #tpu.memory_space<semaphore_mem>>, %arg34: memref<!tpu.dma_semaphore, #tpu.memory_space<semaphore_mem>>, %arg35: memref<!tpu.dma_semaphore, #tpu.memory_space<semaphore_mem>>, %arg36: memref<!tpu.dma_semaphore, #tpu.memory_space<semaphore_mem>>, %arg37: memref<!tpu.dma_semaphore, #tpu.memory_space<semaphore_mem>>, %arg38: memref<!tpu.dma_semaphore, #tpu.memory_space<semaphore_mem>>, %arg39: memref<!tpu.dma_semaphore, #tpu.memory_space<semaphore_mem>>, %arg40: memref<!tpu.dma_semaphore, #tpu.memory_space<semaphore_mem>>, %arg41: memref<!tpu.dma_semaphore, #tpu.memory_space<semaphore_mem>>, %arg42: memref<!tpu.dma_semaphore, #tpu.memory_space<semaphore_mem>>, %arg43: memref<!tpu.dma_semaphore, #tpu.memory_space<semaphore_mem>>, %arg44: memref<!tpu.dma_semaphore, #tpu.memory_space<semaphore_mem>>, %arg45: memref<!tpu.dma_semaphore, #tpu.memory_space<semaphore_mem>>, %arg46: memref<!tpu.dma_semaphore, #tpu.memory_space<semaphore_mem>>, %arg47: memref<!tpu.dma_semaphore, #tpu.memory_space<semaphore_mem>>, %arg48: memref<!tpu.dma_semaphore, #tpu.memory_space<semaphore_mem>>) attributes {dimension_semantics = [#tpu.dimension_semantics<core_parallel>, #tpu.dimension_semantics<subcore_parallel>], iteration_bounds = array<i64: 2, 16>, scalar_prefetch = 0 : i64, scratch_operands = 40 : i64, tpu.core_type = #tpu.core_type<sc_vector_subcore>, window_params = [{transform_indices = #map}, {transform_indices = #map}, {transform_indices = #map}, {transform_indices = #map}, {transform_indices = #map}, {transform_indices = #map}, {transform_indices = #map}]} {
    %mul3A = arith.constant 2 : i32
    %mul3A_0 = arith.muli %arg1, %mul3A : i32
    %add3A = arith.addi %mul3A_0, %arg0 : i32
    %mul3A_1 = arith.constant 10000 : i32
    %mul3A_2 = arith.muli %add3A, %mul3A_1 : i32
    %add3A_3 = arith.constant 0 : i32
    %add3A_4 = arith.addi %mul3A_2, %add3A_3 : i32
    %dma_start3A = arith.constant 0 : i32
    %dma_start3A_5 = tpu.memref_slice %arg3[%dma_start3A, %add3A_4] : memref<2x320000xi32, #tpu.memory_space<hbm>> -> memref<2x40xi32, #tpu.memory_space<hbm>>
    %dma_start3A_6 = arith.constant 0 : i32
    %dma_start3A_7 = tpu.memref_slice %arg3[%dma_start3A_6, %add3A_4] : memref<2x320000xi32, #tpu.memory_space<hbm>> -> memref<2x40xi32, #tpu.memory_space<hbm>>
    tpu.enqueue_dma source(%dma_start3A_7 : memref<2x40xi32, #tpu.memory_space<hbm>>) target(%arg9 : memref<2x40xi32, #tpu.memory_space<vmem>>) target_semaphore(%arg29 : memref<!tpu.dma_semaphore, #tpu.memory_space<semaphore_mem>>)
    %add3A_8 = arith.constant 200 : i32
    %add3A_9 = arith.addi %mul3A_2, %add3A_8 : i32
    %dma_start3A_10 = arith.constant 0 : i32
    %dma_start3A_11 = tpu.memref_slice %arg3[%dma_start3A_10, %add3A_9] : memref<2x320000xi32, #tpu.memory_space<hbm>> -> memref<2x40xi32, #tpu.memory_space<hbm>>
    %dma_start3A_12 = arith.constant 0 : i32
    %dma_start3A_13 = tpu.memref_slice %arg3[%dma_start3A_12, %add3A_9] : memref<2x320000xi32, #tpu.memory_space<hbm>> -> memref<2x40xi32, #tpu.memory_space<hbm>>
    tpu.enqueue_dma source(%dma_start3A_13 : memref<2x40xi32, #tpu.memory_space<hbm>>) target(%arg14 : memref<2x40xi32, #tpu.memory_space<vmem>>) target_semaphore(%arg34 : memref<!tpu.dma_semaphore, #tpu.memory_space<semaphore_mem>>)
    %add3A_14 = arith.constant 40 : i32
    %add3A_15 = arith.addi %mul3A_2, %add3A_14 : i32
    %dma_start3A_16 = arith.constant 0 : i32
    %dma_start3A_17 = tpu.memref_slice %arg3[%dma_start3A_16, %add3A_15] : memref<2x320000xi32, #tpu.memory_space<hbm>> -> memref<2x40xi32, #tpu.memory_space<hbm>>
    %dma_start3A_18 = arith.constant 0 : i32
    %dma_start3A_19 = tpu.memref_slice %arg3[%dma_start3A_18, %add3A_15] : memref<2x320000xi32, #tpu.memory_space<hbm>> -> memref<2x40xi32, #tpu.memory_space<hbm>>
    tpu.enqueue_dma source(%dma_start3A_19 : memref<2x40xi32, #tpu.memory_space<hbm>>) target(%arg10 : memref<2x40xi32, #tpu.memory_space<vmem>>) target_semaphore(%arg30 : memref<!tpu.dma_semaphore, #tpu.memory_space<semaphore_mem>>)
    %add3A_20 = arith.constant 240 : i32
    %add3A_21 = arith.addi %mul3A_2, %add3A_20 : i32
    %dma_start3A_22 = arith.constant 0 : i32
    %dma_start3A_23 = tpu.memref_slice %arg3[%dma_start3A_22, %add3A_21] : memref<2x320000xi32, #tpu.memory_space<hbm>> -> memref<2x40xi32, #tpu.memory_space<hbm>>
    %dma_start3A_24 = arith.constant 0 : i32
    %dma_start3A_25 = tpu.memref_slice %arg3[%dma_start3A_24, %add3A_21] : memref<2x320000xi32, #tpu.memory_space<hbm>> -> memref<2x40xi32, #tpu.memory_space<hbm>>
    tpu.enqueue_dma source(%dma_start3A_25 : memref<2x40xi32, #tpu.memory_space<hbm>>) target(%arg15 : memref<2x40xi32, #tpu.memory_space<vmem>>) target_semaphore(%arg35 : memref<!tpu.dma_semaphore, #tpu.memory_space<semaphore_mem>>)
    %add3A_26 = arith.constant 80 : i32
    %add3A_27 = arith.addi %mul3A_2, %add3A_26 : i32
    %dma_start3A_28 = arith.constant 0 : i32
    %dma_start3A_29 = tpu.memref_slice %arg3[%dma_start3A_28, %add3A_27] : memref<2x320000xi32, #tpu.memory_space<hbm>> -> memref<2x40xi32, #tpu.memory_space<hbm>>
    %dma_start3A_30 = arith.constant 0 : i32
    %dma_start3A_31 = tpu.memref_slice %arg3[%dma_start3A_30, %add3A_27] : memref<2x320000xi32, #tpu.memory_space<hbm>> -> memref<2x40xi32, #tpu.memory_space<hbm>>
    tpu.enqueue_dma source(%dma_start3A_31 : memref<2x40xi32, #tpu.memory_space<hbm>>) target(%arg11 : memref<2x40xi32, #tpu.memory_space<vmem>>) target_semaphore(%arg31 : memref<!tpu.dma_semaphore, #tpu.memory_space<semaphore_mem>>)
    %add3A_32 = arith.constant 280 : i32
    %add3A_33 = arith.addi %mul3A_2, %add3A_32 : i32
    %dma_start3A_34 = arith.constant 0 : i32
    %dma_start3A_35 = tpu.memref_slice %arg3[%dma_start3A_34, %add3A_33] : memref<2x320000xi32, #tpu.memory_space<hbm>> -> memref<2x40xi32, #tpu.memory_space<hbm>>
    %dma_start3A_36 = arith.constant 0 : i32
    %dma_start3A_37 = tpu.memref_slice %arg3[%dma_start3A_36, %add3A_33] : memref<2x320000xi32, #tpu.memory_space<hbm>> -> memref<2x40xi32, #tpu.memory_space<hbm>>
    tpu.enqueue_dma source(%dma_start3A_37 : memref<2x40xi32, #tpu.memory_space<hbm>>) target(%arg16 : memref<2x40xi32, #tpu.memory_space<vmem>>) target_semaphore(%arg36 : memref<!tpu.dma_semaphore, #tpu.memory_space<semaphore_mem>>)
    %add3A_38 = arith.constant 120 : i32
    %add3A_39 = arith.addi %mul3A_2, %add3A_38 : i32
    %dma_start3A_40 = arith.constant 0 : i32
    %dma_start3A_41 = tpu.memref_slice %arg3[%dma_start3A_40, %add3A_39] : memref<2x320000xi32, #tpu.memory_space<hbm>> -> memref<2x40xi32, #tpu.memory_space<hbm>>
    %dma_start3A_42 = arith.constant 0 : i32
    %dma_start3A_43 = tpu.memref_slice %arg3[%dma_start3A_42, %add3A_39] : memref<2x320000xi32, #tpu.memory_space<hbm>> -> memref<2x40xi32, #tpu.memory_space<hbm>>
    tpu.enqueue_dma source(%dma_start3A_43 : memref<2x40xi32, #tpu.memory_space<hbm>>) target(%arg12 : memref<2x40xi32, #tpu.memory_space<vmem>>) target_semaphore(%arg32 : memref<!tpu.dma_semaphore, #tpu.memory_space<semaphore_mem>>)
    %add3A_44 = arith.constant 320 : i32
    %add3A_45 = arith.addi %mul3A_2, %add3A_44 : i32
    %dma_start3A_46 = arith.constant 0 : i32
    %dma_start3A_47 = tpu.memref_slice %arg3[%dma_start3A_46, %add3A_45] : memref<2x320000xi32, #tpu.memory_space<hbm>> -> memref<2x40xi32, #tpu.memory_space<hbm>>
    %dma_start3A_48 = arith.constant 0 : i32
    %dma_start3A_49 = tpu.memref_slice %arg3[%dma_start3A_48, %add3A_45] : memref<2x320000xi32, #tpu.memory_space<hbm>> -> memref<2x40xi32, #tpu.memory_space<hbm>>
    tpu.enqueue_dma source(%dma_start3A_49 : memref<2x40xi32, #tpu.memory_space<hbm>>) target(%arg17 : memref<2x40xi32, #tpu.memory_space<vmem>>) target_semaphore(%arg37 : memref<!tpu.dma_semaphore, #tpu.memory_space<semaphore_mem>>)
    %add3A_50 = arith.constant 160 : i32
    %add3A_51 = arith.addi %mul3A_2, %add3A_50 : i32
    %dma_start3A_52 = arith.constant 0 : i32
    %dma_start3A_53 = tpu.memref_slice %arg3[%dma_start3A_52, %add3A_51] : memref<2x320000xi32, #tpu.memory_space<hbm>> -> memref<2x40xi32, #tpu.memory_space<hbm>>
    %dma_start3A_54 = arith.constant 0 : i32
    %dma_start3A_55 = tpu.memref_slice %arg3[%dma_start3A_54, %add3A_51] : memref<2x320000xi32, #tpu.memory_space<hbm>> -> memref<2x40xi32, #tpu.memory_space<hbm>>
    tpu.enqueue_dma source(%dma_start3A_55 : memref<2x40xi32, #tpu.memory_space<hbm>>) target(%arg13 : memref<2x40xi32, #tpu.memory_space<vmem>>) target_semaphore(%arg33 : memref<!tpu.dma_semaphore, #tpu.memory_space<semaphore_mem>>)
    %add3A_56 = arith.constant 360 : i32
    %add3A_57 = arith.addi %mul3A_2, %add3A_56 : i32
    %dma_start3A_58 = arith.constant 0 : i32
    %dma_start3A_59 = tpu.memref_slice %arg3[%dma_start3A_58, %add3A_57] : memref<2x320000xi32, #tpu.memory_space<hbm>> -> memref<2x40xi32, #tpu.memory_space<hbm>>
    %dma_start3A_60 = arith.constant 0 : i32
    %dma_start3A_61 = tpu.memref_slice %arg3[%dma_start3A_60, %add3A_57] : memref<2x320000xi32, #tpu.memory_space<hbm>> -> memref<2x40xi32, #tpu.memory_space<hbm>>
    tpu.enqueue_dma source(%dma_start3A_61 : memref<2x40xi32, #tpu.memory_space<hbm>>) target(%arg18 : memref<2x40xi32, #tpu.memory_space<vmem>>) target_semaphore(%arg38 : memref<!tpu.dma_semaphore, #tpu.memory_space<semaphore_mem>>)
    "tpu.region"() ({
      %run_scoped3A = tpu.sem_alloc : memref<!tpu.dma_semaphore, #tpu.memory_space<semaphore_mem>>
      tpu.enqueue_dma source(%arg4 : memref<40x128xf32, #tpu.memory_space<hbm>>) target(%arg25 : memref<40x128xf32, #tpu.memory_space<vmem>>) target_semaphore(%run_scoped3A : memref<!tpu.dma_semaphore, #tpu.memory_space<semaphore_mem>>)
      tpu.wait_dma2 semaphore(%run_scoped3A : memref<!tpu.dma_semaphore, #tpu.memory_space<semaphore_mem>>) src(%arg4 : memref<40x128xf32, #tpu.memory_space<hbm>>) dst(%arg25 : memref<40x128xf32, #tpu.memory_space<vmem>>)
      tpu.yield
    }) : () -> ()
    "tpu.region"() ({
      %run_scoped3A = tpu.sem_alloc : memref<!tpu.dma_semaphore, #tpu.memory_space<semaphore_mem>>
      tpu.enqueue_dma source(%arg5 : memref<40x16xf32, #tpu.memory_space<hbm>>) target(%arg26 : memref<40x16xf32, #tpu.memory_space<vmem>>) target_semaphore(%run_scoped3A : memref<!tpu.dma_semaphore, #tpu.memory_space<semaphore_mem>>)
      tpu.wait_dma2 semaphore(%run_scoped3A : memref<!tpu.dma_semaphore, #tpu.memory_space<semaphore_mem>>) src(%arg5 : memref<40x16xf32, #tpu.memory_space<hbm>>) dst(%arg26 : memref<40x16xf32, #tpu.memory_space<vmem>>)
      tpu.yield
    }) : () -> ()
    "tpu.region"() ({
      %run_scoped3A = tpu.sem_alloc : memref<!tpu.dma_semaphore, #tpu.memory_space<semaphore_mem>>
      tpu.enqueue_dma source(%arg6 : memref<40x16xf32, #tpu.memory_space<hbm>>) target(%arg24 : memref<40x16xf32, #tpu.memory_space<vmem>>) target_semaphore(%run_scoped3A : memref<!tpu.dma_semaphore, #tpu.memory_space<semaphore_mem>>)
      tpu.wait_dma2 semaphore(%run_scoped3A : memref<!tpu.dma_semaphore, #tpu.memory_space<semaphore_mem>>) src(%arg6 : memref<40x16xf32, #tpu.memory_space<hbm>>) dst(%arg24 : memref<40x16xf32, #tpu.memory_space<vmem>>)
      tpu.yield
    }) : () -> ()
    %add3A_62 = arith.constant 0 : i32
    %add3A_63 = arith.addi %mul3A_2, %add3A_62 : i32
    %dma_wait3A = arith.constant 0 : i32
    %dma_wait3A_64 = tpu.memref_slice %arg3[%dma_wait3A, %add3A_63] : memref<2x320000xi32, #tpu.memory_space<hbm>> -> memref<2x40xi32, #tpu.memory_space<hbm>>
    %dma_wait3A_65 = arith.constant 0 : i32
    %dma_wait3A_66 = tpu.memref_slice %arg3[%dma_wait3A_65, %add3A_63] : memref<2x320000xi32, #tpu.memory_space<hbm>> -> memref<2x40xi32, #tpu.memory_space<hbm>>
    tpu.wait_dma2 semaphore(%arg29 : memref<!tpu.dma_semaphore, #tpu.memory_space<semaphore_mem>>) src(%dma_wait3A_66 : memref<2x40xi32, #tpu.memory_space<hbm>>) dst(%arg9 : memref<2x40xi32, #tpu.memory_space<vmem>>)
    %dma_start3A_67 = arith.constant 1 : i32
    %dma_start3A_68 = arith.constant 0 : i32
    %dma_start3A_69 = tpu.memref_slice %arg9[%dma_start3A_67, %dma_start3A_68] : memref<2x40xi32, #tpu.memory_space<vmem>> -> memref<1x40xi32, #tpu.memory_space<vmem>>
    %dma_start3A_70 = tpu.memref_squeeze %dma_start3A_69 : memref<1x40xi32, #tpu.memory_space<vmem>> -> memref<40xi32, #tpu.memory_space<vmem>>
    %dma_start3A_71 = arith.constant 0 : i32
    %dma_start3A_72 = arith.constant 0 : i32
    %dma_start3A_73 = tpu.memref_slice %arg2[%dma_start3A_71, %dma_start3A_72] : memref<10000x128xf32, #tpu.memory_space<hbm>> -> memref<10000x128xf32, #tpu.memory_space<hbm>>
    tpu.enqueue_indirect_dma source(%dma_start3A_73 : memref<10000x128xf32, #tpu.memory_space<hbm>>) target(%arg19 : memref<40x128xf32, #tpu.memory_space<vmem>>) offsets(%dma_start3A_70 : memref<40xi32, #tpu.memory_space<vmem>>) semaphore(%arg39 : memref<!tpu.dma_semaphore, #tpu.memory_space<semaphore_mem>>)
    %add3A_74 = arith.constant 40 : i32
    %add3A_75 = arith.addi %mul3A_2, %add3A_74 : i32
    %dma_wait3A_76 = arith.constant 0 : i32
    %dma_wait3A_77 = tpu.memref_slice %arg3[%dma_wait3A_76, %add3A_75] : memref<2x320000xi32, #tpu.memory_space<hbm>> -> memref<2x40xi32, #tpu.memory_space<hbm>>
    %dma_wait3A_78 = arith.constant 0 : i32
    %dma_wait3A_79 = tpu.memref_slice %arg3[%dma_wait3A_78, %add3A_75] : memref<2x320000xi32, #tpu.memory_space<hbm>> -> memref<2x40xi32, #tpu.memory_space<hbm>>
    tpu.wait_dma2 semaphore(%arg30 : memref<!tpu.dma_semaphore, #tpu.memory_space<semaphore_mem>>) src(%dma_wait3A_79 : memref<2x40xi32, #tpu.memory_space<hbm>>) dst(%arg10 : memref<2x40xi32, #tpu.memory_space<vmem>>)
    %dma_start3A_80 = arith.constant 1 : i32
    %dma_start3A_81 = arith.constant 0 : i32
    %dma_start3A_82 = tpu.memref_slice %arg10[%dma_start3A_80, %dma_start3A_81] : memref<2x40xi32, #tpu.memory_space<vmem>> -> memref<1x40xi32, #tpu.memory_space<vmem>>
    %dma_start3A_83 = tpu.memref_squeeze %dma_start3A_82 : memref<1x40xi32, #tpu.memory_space<vmem>> -> memref<40xi32, #tpu.memory_space<vmem>>
    %dma_start3A_84 = arith.constant 0 : i32
    %dma_start3A_85 = arith.constant 0 : i32
    %dma_start3A_86 = tpu.memref_slice %arg2[%dma_start3A_84, %dma_start3A_85] : memref<10000x128xf32, #tpu.memory_space<hbm>> -> memref<10000x128xf32, #tpu.memory_space<hbm>>
    tpu.enqueue_indirect_dma source(%dma_start3A_86 : memref<10000x128xf32, #tpu.memory_space<hbm>>) target(%arg20 : memref<40x128xf32, #tpu.memory_space<vmem>>) offsets(%dma_start3A_83 : memref<40xi32, #tpu.memory_space<vmem>>) semaphore(%arg40 : memref<!tpu.dma_semaphore, #tpu.memory_space<semaphore_mem>>)
    %add3A_87 = arith.constant 80 : i32
    %add3A_88 = arith.addi %mul3A_2, %add3A_87 : i32
    %dma_wait3A_89 = arith.constant 0 : i32
    %dma_wait3A_90 = tpu.memref_slice %arg3[%dma_wait3A_89, %add3A_88] : memref<2x320000xi32, #tpu.memory_space<hbm>> -> memref<2x40xi32, #tpu.memory_space<hbm>>
    %dma_wait3A_91 = arith.constant 0 : i32
    %dma_wait3A_92 = tpu.memref_slice %arg3[%dma_wait3A_91, %add3A_88] : memref<2x320000xi32, #tpu.memory_space<hbm>> -> memref<2x40xi32, #tpu.memory_space<hbm>>
    tpu.wait_dma2 semaphore(%arg31 : memref<!tpu.dma_semaphore, #tpu.memory_space<semaphore_mem>>) src(%dma_wait3A_92 : memref<2x40xi32, #tpu.memory_space<hbm>>) dst(%arg11 : memref<2x40xi32, #tpu.memory_space<vmem>>)
    %dma_start3A_93 = arith.constant 1 : i32
    %dma_start3A_94 = arith.constant 0 : i32
    %dma_start3A_95 = tpu.memref_slice %arg11[%dma_start3A_93, %dma_start3A_94] : memref<2x40xi32, #tpu.memory_space<vmem>> -> memref<1x40xi32, #tpu.memory_space<vmem>>
    %dma_start3A_96 = tpu.memref_squeeze %dma_start3A_95 : memref<1x40xi32, #tpu.memory_space<vmem>> -> memref<40xi32, #tpu.memory_space<vmem>>
    %dma_start3A_97 = arith.constant 0 : i32
    %dma_start3A_98 = arith.constant 0 : i32
    %dma_start3A_99 = tpu.memref_slice %arg2[%dma_start3A_97, %dma_start3A_98] : memref<10000x128xf32, #tpu.memory_space<hbm>> -> memref<10000x128xf32, #tpu.memory_space<hbm>>
    tpu.enqueue_indirect_dma source(%dma_start3A_99 : memref<10000x128xf32, #tpu.memory_space<hbm>>) target(%arg21 : memref<40x128xf32, #tpu.memory_space<vmem>>) offsets(%dma_start3A_96 : memref<40xi32, #tpu.memory_space<vmem>>) semaphore(%arg41 : memref<!tpu.dma_semaphore, #tpu.memory_space<semaphore_mem>>)
    %add3A_100 = arith.constant 120 : i32
    %add3A_101 = arith.addi %mul3A_2, %add3A_100 : i32
    %dma_wait3A_102 = arith.constant 0 : i32
    %dma_wait3A_103 = tpu.memref_slice %arg3[%dma_wait3A_102, %add3A_101] : memref<2x320000xi32, #tpu.memory_space<hbm>> -> memref<2x40xi32, #tpu.memory_space<hbm>>
    %dma_wait3A_104 = arith.constant 0 : i32
    %dma_wait3A_105 = tpu.memref_slice %arg3[%dma_wait3A_104, %add3A_101] : memref<2x320000xi32, #tpu.memory_space<hbm>> -> memref<2x40xi32, #tpu.memory_space<hbm>>
    tpu.wait_dma2 semaphore(%arg32 : memref<!tpu.dma_semaphore, #tpu.memory_space<semaphore_mem>>) src(%dma_wait3A_105 : memref<2x40xi32, #tpu.memory_space<hbm>>) dst(%arg12 : memref<2x40xi32, #tpu.memory_space<vmem>>)
    %dma_start3A_106 = arith.constant 1 : i32
    %dma_start3A_107 = arith.constant 0 : i32
    %dma_start3A_108 = tpu.memref_slice %arg12[%dma_start3A_106, %dma_start3A_107] : memref<2x40xi32, #tpu.memory_space<vmem>> -> memref<1x40xi32, #tpu.memory_space<vmem>>
    %dma_start3A_109 = tpu.memref_squeeze %dma_start3A_108 : memref<1x40xi32, #tpu.memory_space<vmem>> -> memref<40xi32, #tpu.memory_space<vmem>>
    %dma_start3A_110 = arith.constant 0 : i32
    %dma_start3A_111 = arith.constant 0 : i32
    %dma_start3A_112 = tpu.memref_slice %arg2[%dma_start3A_110, %dma_start3A_111] : memref<10000x128xf32, #tpu.memory_space<hbm>> -> memref<10000x128xf32, #tpu.memory_space<hbm>>
    tpu.enqueue_indirect_dma source(%dma_start3A_112 : memref<10000x128xf32, #tpu.memory_space<hbm>>) target(%arg22 : memref<40x128xf32, #tpu.memory_space<vmem>>) offsets(%dma_start3A_109 : memref<40xi32, #tpu.memory_space<vmem>>) semaphore(%arg42 : memref<!tpu.dma_semaphore, #tpu.memory_space<semaphore_mem>>)
    %add3A_113 = arith.constant 160 : i32
    %add3A_114 = arith.addi %mul3A_2, %add3A_113 : i32
    %dma_wait3A_115 = arith.constant 0 : i32
    %dma_wait3A_116 = tpu.memref_slice %arg3[%dma_wait3A_115, %add3A_114] : memref<2x320000xi32, #tpu.memory_space<hbm>> -> memref<2x40xi32, #tpu.memory_space<hbm>>
    %dma_wait3A_117 = arith.constant 0 : i32
    %dma_wait3A_118 = tpu.memref_slice %arg3[%dma_wait3A_117, %add3A_114] : memref<2x320000xi32, #tpu.memory_space<hbm>> -> memref<2x40xi32, #tpu.memory_space<hbm>>
    tpu.wait_dma2 semaphore(%arg33 : memref<!tpu.dma_semaphore, #tpu.memory_space<semaphore_mem>>) src(%dma_wait3A_118 : memref<2x40xi32, #tpu.memory_space<hbm>>) dst(%arg13 : memref<2x40xi32, #tpu.memory_space<vmem>>)
    %dma_start3A_119 = arith.constant 1 : i32
    %dma_start3A_120 = arith.constant 0 : i32
    %dma_start3A_121 = tpu.memref_slice %arg13[%dma_start3A_119, %dma_start3A_120] : memref<2x40xi32, #tpu.memory_space<vmem>> -> memref<1x40xi32, #tpu.memory_space<vmem>>
    %dma_start3A_122 = tpu.memref_squeeze %dma_start3A_121 : memref<1x40xi32, #tpu.memory_space<vmem>> -> memref<40xi32, #tpu.memory_space<vmem>>
    %dma_start3A_123 = arith.constant 0 : i32
    %dma_start3A_124 = arith.constant 0 : i32
    %dma_start3A_125 = tpu.memref_slice %arg2[%dma_start3A_123, %dma_start3A_124] : memref<10000x128xf32, #tpu.memory_space<hbm>> -> memref<10000x128xf32, #tpu.memory_space<hbm>>
    tpu.enqueue_indirect_dma source(%dma_start3A_125 : memref<10000x128xf32, #tpu.memory_space<hbm>>) target(%arg23 : memref<40x128xf32, #tpu.memory_space<vmem>>) offsets(%dma_start3A_122 : memref<40xi32, #tpu.memory_space<vmem>>) semaphore(%arg43 : memref<!tpu.dma_semaphore, #tpu.memory_space<semaphore_mem>>)
    %scan3A = arith.constant 0 : i32
    %scan3A_126 = arith.constant 16 : i32
    %scan3A_127 = arith.addi %scan3A, %scan3A_126 : i32
    %scan3A_128 = arith.constant 1 : i32
    scf.for %scan3A_141 = %scan3A to %scan3A_127 step %scan3A_128  : i32 {
      %mul3A_142 = arith.constant 16 : i32
      %mul3A_143 = arith.muli %scan3A_141, %mul3A_142 : i32
      %add3A_144 = arith.addi %arg1, %mul3A_143 : i32
      %lt3A = arith.constant 250 : i32
      %lt3A_145 = arith.cmpi slt, %add3A_144, %lt3A : i32
      %convert_element_type3A = arith.extui %lt3A_145 : i1 to i32
      %cond3A = arith.constant 0 : i32
      %cond3A_146 = arith.cmpi ne, %convert_element_type3A, %cond3A : i32
      scf.if %cond3A_146 {
        %mul3A_147 = arith.constant 40 : i32
        %mul3A_148 = arith.muli %add3A_144, %mul3A_147 : i32
        "tpu.region"() ({
          %run_scoped3A = tpu.sem_alloc : memref<!tpu.dma_semaphore, #tpu.memory_space<semaphore_mem>>
          %dma_start3A_151 = arith.constant 0 : i32
          %dma_start3A_152 = tpu.memref_slice %arg27[%mul3A_148, %dma_start3A_151] : memref<10000x128xf32, #tpu.memory_space<vmem_shared>> -> memref<40x128xf32, #tpu.memory_space<vmem_shared>>
          %dma_start3A_153 = arith.constant 0 : i32
          %dma_start3A_154 = tpu.memref_slice %arg27[%mul3A_148, %dma_start3A_153] : memref<10000x128xf32, #tpu.memory_space<vmem_shared>> -> memref<40x128xf32, #tpu.memory_space<vmem_shared>>
          tpu.enqueue_dma source(%arg25 : memref<40x128xf32, #tpu.memory_space<vmem>>) target(%dma_start3A_154 : memref<40x128xf32, #tpu.memory_space<vmem_shared>>) target_semaphore(%run_scoped3A : memref<!tpu.dma_semaphore, #tpu.memory_space<semaphore_mem>>)
          %dma_wait3A_155 = arith.constant 0 : i32
          %dma_wait3A_156 = tpu.memref_slice %arg27[%mul3A_148, %dma_wait3A_155] : memref<10000x128xf32, #tpu.memory_space<vmem_shared>> -> memref<40x128xf32, #tpu.memory_space<vmem_shared>>
          %dma_wait3A_157 = arith.constant 0 : i32
          %dma_wait3A_158 = tpu.memref_slice %arg27[%mul3A_148, %dma_wait3A_157] : memref<10000x128xf32, #tpu.memory_space<vmem_shared>> -> memref<40x128xf32, #tpu.memory_space<vmem_shared>>
          tpu.wait_dma2 semaphore(%run_scoped3A : memref<!tpu.dma_semaphore, #tpu.memory_space<semaphore_mem>>) src(%arg25 : memref<40x128xf32, #tpu.memory_space<vmem>>) dst(%dma_wait3A_158 : memref<40x128xf32, #tpu.memory_space<vmem_shared>>)
          tpu.yield
        }) : () -> ()
        %mul3A_149 = arith.constant 40 : i32
        %mul3A_150 = arith.muli %add3A_144, %mul3A_149 : i32
        "tpu.region"() ({
          %run_scoped3A = tpu.sem_alloc : memref<!tpu.dma_semaphore, #tpu.memory_space<semaphore_mem>>
          %dma_start3A_151 = arith.constant 0 : i32
          %dma_start3A_152 = tpu.memref_slice %arg28[%mul3A_150, %dma_start3A_151] : memref<10000x16xf32, #tpu.memory_space<vmem_shared>> -> memref<40x16xf32, #tpu.memory_space<vmem_shared>>
          %dma_start3A_153 = arith.constant 0 : i32
          %dma_start3A_154 = tpu.memref_slice %arg28[%mul3A_150, %dma_start3A_153] : memref<10000x16xf32, #tpu.memory_space<vmem_shared>> -> memref<40x16xf32, #tpu.memory_space<vmem_shared>>
          tpu.enqueue_dma source(%arg26 : memref<40x16xf32, #tpu.memory_space<vmem>>) target(%dma_start3A_154 : memref<40x16xf32, #tpu.memory_space<vmem_shared>>) target_semaphore(%run_scoped3A : memref<!tpu.dma_semaphore, #tpu.memory_space<semaphore_mem>>)
          %dma_wait3A_155 = arith.constant 0 : i32
          %dma_wait3A_156 = tpu.memref_slice %arg28[%mul3A_150, %dma_wait3A_155] : memref<10000x16xf32, #tpu.memory_space<vmem_shared>> -> memref<40x16xf32, #tpu.memory_space<vmem_shared>>
          %dma_wait3A_157 = arith.constant 0 : i32
          %dma_wait3A_158 = tpu.memref_slice %arg28[%mul3A_150, %dma_wait3A_157] : memref<10000x16xf32, #tpu.memory_space<vmem_shared>> -> memref<40x16xf32, #tpu.memory_space<vmem_shared>>
          tpu.wait_dma2 semaphore(%run_scoped3A : memref<!tpu.dma_semaphore, #tpu.memory_space<semaphore_mem>>) src(%arg26 : memref<40x16xf32, #tpu.memory_space<vmem>>) dst(%dma_wait3A_158 : memref<40x16xf32, #tpu.memory_space<vmem_shared>>)
          tpu.yield
        }) : () -> ()
      } else {
      }
    }
    %scan3A_129 = arith.constant 16 : i32
    %barrier3A = arith.constant 0 : index
    tpu.barrier barrier_id(%barrier3A)
    %scan3A_130 = arith.constant 0 : i32
    %scan3A_131 = arith.constant 25 : i32
    %scan3A_132 = arith.addi %scan3A_130, %scan3A_131 : i32
    %scan3A_133 = arith.constant 1 : i32
    scf.for %scan3A_141 = %scan3A_130 to %scan3A_132 step %scan3A_133  : i32 {
      %mul3A_142 = arith.constant 2 : i32
      %mul3A_143 = arith.muli %scan3A_141, %mul3A_142 : i32
      %mul3A_144 = arith.constant 5 : i32
      %mul3A_145 = arith.muli %mul3A_143, %mul3A_144 : i32
      %dma_wait3A_146 = arith.constant 1 : i32
      %dma_wait3A_147 = arith.constant 0 : i32
      %dma_wait3A_148 = tpu.memref_slice %arg9[%dma_wait3A_146, %dma_wait3A_147] : memref<2x40xi32, #tpu.memory_space<vmem>> -> memref<1x40xi32, #tpu.memory_space<vmem>>
      %dma_wait3A_149 = tpu.memref_squeeze %dma_wait3A_148 : memref<1x40xi32, #tpu.memory_space<vmem>> -> memref<40xi32, #tpu.memory_space<vmem>>
      %dma_wait3A_150 = arith.constant 0 : i32
      %dma_wait3A_151 = arith.constant 0 : i32
      %dma_wait3A_152 = tpu.memref_slice %arg2[%dma_wait3A_150, %dma_wait3A_151] : memref<10000x128xf32, #tpu.memory_space<hbm>> -> memref<10000x128xf32, #tpu.memory_space<hbm>>
      tpu.wait_indirect_dma semaphore(%arg39 : memref<!tpu.dma_semaphore, #tpu.memory_space<semaphore_mem>>) src(%dma_wait3A_152 : memref<10000x128xf32, #tpu.memory_space<hbm>>) dst(%arg19 : memref<40x128xf32, #tpu.memory_space<vmem>>)
      %dma_start3A_153 = arith.constant 0 : i32
      %dma_start3A_154 = arith.constant 0 : i32
      %dma_start3A_155 = tpu.memref_slice %arg9[%dma_start3A_153, %dma_start3A_154] : memref<2x40xi32, #tpu.memory_space<vmem>> -> memref<1x40xi32, #tpu.memory_space<vmem>>
      %dma_start3A_156 = tpu.memref_squeeze %dma_start3A_155 : memref<1x40xi32, #tpu.memory_space<vmem>> -> memref<40xi32, #tpu.memory_space<vmem>>
      %dma_start3A_157 = arith.constant 0 : i32
      %dma_start3A_158 = arith.constant 0 : i32
      %dma_start3A_159 = tpu.memref_slice %arg27[%dma_start3A_157, %dma_start3A_158] : memref<10000x128xf32, #tpu.memory_space<vmem_shared>> -> memref<10000x128xf32, #tpu.memory_space<vmem_shared>>
      tpu.enqueue_indirect_dma source(%arg19 : memref<40x128xf32, #tpu.memory_space<vmem>>) target(%dma_start3A_159 : memref<10000x128xf32, #tpu.memory_space<vmem_shared>>) offsets(%dma_start3A_156 : memref<40xi32, #tpu.memory_space<vmem>>) semaphore(%arg44 : memref<!tpu.dma_semaphore, #tpu.memory_space<semaphore_mem>>) {add = true}
      %dma_start3A_160 = arith.constant 0 : i32
      %dma_start3A_161 = arith.constant 0 : i32
      %dma_start3A_162 = tpu.memref_slice %arg9[%dma_start3A_160, %dma_start3A_161] : memref<2x40xi32, #tpu.memory_space<vmem>> -> memref<1x40xi32, #tpu.memory_space<vmem>>
      %dma_start3A_163 = tpu.memref_squeeze %dma_start3A_162 : memref<1x40xi32, #tpu.memory_space<vmem>> -> memref<40xi32, #tpu.memory_space<vmem>>
      %dma_start3A_164 = arith.constant 0 : i32
      %dma_start3A_165 = arith.constant 0 : i32
      %dma_start3A_166 = tpu.memref_slice %arg28[%dma_start3A_164, %dma_start3A_165] : memref<10000x16xf32, #tpu.memory_space<vmem_shared>> -> memref<10000x16xf32, #tpu.memory_space<vmem_shared>>
      tpu.enqueue_indirect_dma source(%arg24 : memref<40x16xf32, #tpu.memory_space<vmem>>) target(%dma_start3A_166 : memref<10000x16xf32, #tpu.memory_space<vmem_shared>>) offsets(%dma_start3A_163 : memref<40xi32, #tpu.memory_space<vmem>>) semaphore(%arg44 : memref<!tpu.dma_semaphore, #tpu.memory_space<semaphore_mem>>) {add = true}
      %dma_wait3A_167 = arith.constant 1 : i32
      %dma_wait3A_168 = arith.constant 0 : i32
      %dma_wait3A_169 = tpu.memref_slice %arg10[%dma_wait3A_167, %dma_wait3A_168] : memref<2x40xi32, #tpu.memory_space<vmem>> -> memref<1x40xi32, #tpu.memory_space<vmem>>
      %dma_wait3A_170 = tpu.memref_squeeze %dma_wait3A_169 : memref<1x40xi32, #tpu.memory_space<vmem>> -> memref<40xi32, #tpu.memory_space<vmem>>
      %dma_wait3A_171 = arith.constant 0 : i32
      %dma_wait3A_172 = arith.constant 0 : i32
      %dma_wait3A_173 = tpu.memref_slice %arg2[%dma_wait3A_171, %dma_wait3A_172] : memref<10000x128xf32, #tpu.memory_space<hbm>> -> memref<10000x128xf32, #tpu.memory_space<hbm>>
      tpu.wait_indirect_dma semaphore(%arg40 : memref<!tpu.dma_semaphore, #tpu.memory_space<semaphore_mem>>) src(%dma_wait3A_173 : memref<10000x128xf32, #tpu.memory_space<hbm>>) dst(%arg20 : memref<40x128xf32, #tpu.memory_space<vmem>>)
      %dma_start3A_174 = arith.constant 0 : i32
      %dma_start3A_175 = arith.constant 0 : i32
      %dma_start3A_176 = tpu.memref_slice %arg10[%dma_start3A_174, %dma_start3A_175] : memref<2x40xi32, #tpu.memory_space<vmem>> -> memref<1x40xi32, #tpu.memory_space<vmem>>
      %dma_start3A_177 = tpu.memref_squeeze %dma_start3A_176 : memref<1x40xi32, #tpu.memory_space<vmem>> -> memref<40xi32, #tpu.memory_space<vmem>>
      %dma_start3A_178 = arith.constant 0 : i32
      %dma_start3A_179 = arith.constant 0 : i32
      %dma_start3A_180 = tpu.memref_slice %arg27[%dma_start3A_178, %dma_start3A_179] : memref<10000x128xf32, #tpu.memory_space<vmem_shared>> -> memref<10000x128xf32, #tpu.memory_space<vmem_shared>>
      tpu.enqueue_indirect_dma source(%arg20 : memref<40x128xf32, #tpu.memory_space<vmem>>) target(%dma_start3A_180 : memref<10000x128xf32, #tpu.memory_space<vmem_shared>>) offsets(%dma_start3A_177 : memref<40xi32, #tpu.memory_space<vmem>>) semaphore(%arg45 : memref<!tpu.dma_semaphore, #tpu.memory_space<semaphore_mem>>) {add = true}
      %dma_start3A_181 = arith.constant 0 : i32
      %dma_start3A_182 = arith.constant 0 : i32
      %dma_start3A_183 = tpu.memref_slice %arg10[%dma_start3A_181, %dma_start3A_182] : memref<2x40xi32, #tpu.memory_space<vmem>> -> memref<1x40xi32, #tpu.memory_space<vmem>>
      %dma_start3A_184 = tpu.memref_squeeze %dma_start3A_183 : memref<1x40xi32, #tpu.memory_space<vmem>> -> memref<40xi32, #tpu.memory_space<vmem>>
      %dma_start3A_185 = arith.constant 0 : i32
      %dma_start3A_186 = arith.constant 0 : i32
      %dma_start3A_187 = tpu.memref_slice %arg28[%dma_start3A_185, %dma_start3A_186] : memref<10000x16xf32, #tpu.memory_space<vmem_shared>> -> memref<10000x16xf32, #tpu.memory_space<vmem_shared>>
      tpu.enqueue_indirect_dma source(%arg24 : memref<40x16xf32, #tpu.memory_space<vmem>>) target(%dma_start3A_187 : memref<10000x16xf32, #tpu.memory_space<vmem_shared>>) offsets(%dma_start3A_184 : memref<40xi32, #tpu.memory_space<vmem>>) semaphore(%arg45 : memref<!tpu.dma_semaphore, #tpu.memory_space<semaphore_mem>>) {add = true}
      %dma_wait3A_188 = arith.constant 1 : i32
      %dma_wait3A_189 = arith.constant 0 : i32
      %dma_wait3A_190 = tpu.memref_slice %arg11[%dma_wait3A_188, %dma_wait3A_189] : memref<2x40xi32, #tpu.memory_space<vmem>> -> memref<1x40xi32, #tpu.memory_space<vmem>>
      %dma_wait3A_191 = tpu.memref_squeeze %dma_wait3A_190 : memref<1x40xi32, #tpu.memory_space<vmem>> -> memref<40xi32, #tpu.memory_space<vmem>>
      %dma_wait3A_192 = arith.constant 0 : i32
      %dma_wait3A_193 = arith.constant 0 : i32
      %dma_wait3A_194 = tpu.memref_slice %arg2[%dma_wait3A_192, %dma_wait3A_193] : memref<10000x128xf32, #tpu.memory_space<hbm>> -> memref<10000x128xf32, #tpu.memory_space<hbm>>
      tpu.wait_indirect_dma semaphore(%arg41 : memref<!tpu.dma_semaphore, #tpu.memory_space<semaphore_mem>>) src(%dma_wait3A_194 : memref<10000x128xf32, #tpu.memory_space<hbm>>) dst(%arg21 : memref<40x128xf32, #tpu.memory_space<vmem>>)
      %dma_start3A_195 = arith.constant 0 : i32
      %dma_start3A_196 = arith.constant 0 : i32
      %dma_start3A_197 = tpu.memref_slice %arg11[%dma_start3A_195, %dma_start3A_196] : memref<2x40xi32, #tpu.memory_space<vmem>> -> memref<1x40xi32, #tpu.memory_space<vmem>>
      %dma_start3A_198 = tpu.memref_squeeze %dma_start3A_197 : memref<1x40xi32, #tpu.memory_space<vmem>> -> memref<40xi32, #tpu.memory_space<vmem>>
      %dma_start3A_199 = arith.constant 0 : i32
      %dma_start3A_200 = arith.constant 0 : i32
      %dma_start3A_201 = tpu.memref_slice %arg27[%dma_start3A_199, %dma_start3A_200] : memref<10000x128xf32, #tpu.memory_space<vmem_shared>> -> memref<10000x128xf32, #tpu.memory_space<vmem_shared>>
      tpu.enqueue_indirect_dma source(%arg21 : memref<40x128xf32, #tpu.memory_space<vmem>>) target(%dma_start3A_201 : memref<10000x128xf32, #tpu.memory_space<vmem_shared>>) offsets(%dma_start3A_198 : memref<40xi32, #tpu.memory_space<vmem>>) semaphore(%arg46 : memref<!tpu.dma_semaphore, #tpu.memory_space<semaphore_mem>>) {add = true}
      %dma_start3A_202 = arith.constant 0 : i32
      %dma_start3A_203 = arith.constant 0 : i32
      %dma_start3A_204 = tpu.memref_slice %arg11[%dma_start3A_202, %dma_start3A_203] : memref<2x40xi32, #tpu.memory_space<vmem>> -> memref<1x40xi32, #tpu.memory_space<vmem>>
      %dma_start3A_205 = tpu.memref_squeeze %dma_start3A_204 : memref<1x40xi32, #tpu.memory_space<vmem>> -> memref<40xi32, #tpu.memory_space<vmem>>
      %dma_start3A_206 = arith.constant 0 : i32
      %dma_start3A_207 = arith.constant 0 : i32
      %dma_start3A_208 = tpu.memref_slice %arg28[%dma_start3A_206, %dma_start3A_207] : memref<10000x16xf32, #tpu.memory_space<vmem_shared>> -> memref<10000x16xf32, #tpu.memory_space<vmem_shared>>
      tpu.enqueue_indirect_dma source(%arg24 : memref<40x16xf32, #tpu.memory_space<vmem>>) target(%dma_start3A_208 : memref<10000x16xf32, #tpu.memory_space<vmem_shared>>) offsets(%dma_start3A_205 : memref<40xi32, #tpu.memory_space<vmem>>) semaphore(%arg46 : memref<!tpu.dma_semaphore, #tpu.memory_space<semaphore_mem>>) {add = true}
      %dma_wait3A_209 = arith.constant 1 : i32
      %dma_wait3A_210 = arith.constant 0 : i32
      %dma_wait3A_211 = tpu.memref_slice %arg12[%dma_wait3A_209, %dma_wait3A_210] : memref<2x40xi32, #tpu.memory_space<vmem>> -> memref<1x40xi32, #tpu.memory_space<vmem>>
      %dma_wait3A_212 = tpu.memref_squeeze %dma_wait3A_211 : memref<1x40xi32, #tpu.memory_space<vmem>> -> memref<40xi32, #tpu.memory_space<vmem>>
      %dma_wait3A_213 = arith.constant 0 : i32
      %dma_wait3A_214 = arith.constant 0 : i32
      %dma_wait3A_215 = tpu.memref_slice %arg2[%dma_wait3A_213, %dma_wait3A_214] : memref<10000x128xf32, #tpu.memory_space<hbm>> -> memref<10000x128xf32, #tpu.memory_space<hbm>>
      tpu.wait_indirect_dma semaphore(%arg42 : memref<!tpu.dma_semaphore, #tpu.memory_space<semaphore_mem>>) src(%dma_wait3A_215 : memref<10000x128xf32, #tpu.memory_space<hbm>>) dst(%arg22 : memref<40x128xf32, #tpu.memory_space<vmem>>)
      %dma_start3A_216 = arith.constant 0 : i32
      %dma_start3A_217 = arith.constant 0 : i32
      %dma_start3A_218 = tpu.memref_slice %arg12[%dma_start3A_216, %dma_start3A_217] : memref<2x40xi32, #tpu.memory_space<vmem>> -> memref<1x40xi32, #tpu.memory_space<vmem>>
      %dma_start3A_219 = tpu.memref_squeeze %dma_start3A_218 : memref<1x40xi32, #tpu.memory_space<vmem>> -> memref<40xi32, #tpu.memory_space<vmem>>
      %dma_start3A_220 = arith.constant 0 : i32
      %dma_start3A_221 = arith.constant 0 : i32
      %dma_start3A_222 = tpu.memref_slice %arg27[%dma_start3A_220, %dma_start3A_221] : memref<10000x128xf32, #tpu.memory_space<vmem_shared>> -> memref<10000x128xf32, #tpu.memory_space<vmem_shared>>
      tpu.enqueue_indirect_dma source(%arg22 : memref<40x128xf32, #tpu.memory_space<vmem>>) target(%dma_start3A_222 : memref<10000x128xf32, #tpu.memory_space<vmem_shared>>) offsets(%dma_start3A_219 : memref<40xi32, #tpu.memory_space<vmem>>) semaphore(%arg47 : memref<!tpu.dma_semaphore, #tpu.memory_space<semaphore_mem>>) {add = true}
      %dma_start3A_223 = arith.constant 0 : i32
      %dma_start3A_224 = arith.constant 0 : i32
      %dma_start3A_225 = tpu.memref_slice %arg12[%dma_start3A_223, %dma_start3A_224] : memref<2x40xi32, #tpu.memory_space<vmem>> -> memref<1x40xi32, #tpu.memory_space<vmem>>
      %dma_start3A_226 = tpu.memref_squeeze %dma_start3A_225 : memref<1x40xi32, #tpu.memory_space<vmem>> -> memref<40xi32, #tpu.memory_space<vmem>>
      %dma_start3A_227 = arith.constant 0 : i32
      %dma_start3A_228 = arith.constant 0 : i32
      %dma_start3A_229 = tpu.memref_slice %arg28[%dma_start3A_227, %dma_start3A_228] : memref<10000x16xf32, #tpu.memory_space<vmem_shared>> -> memref<10000x16xf32, #tpu.memory_space<vmem_shared>>
      tpu.enqueue_indirect_dma source(%arg24 : memref<40x16xf32, #tpu.memory_space<vmem>>) target(%dma_start3A_229 : memref<10000x16xf32, #tpu.memory_space<vmem_shared>>) offsets(%dma_start3A_226 : memref<40xi32, #tpu.memory_space<vmem>>) semaphore(%arg47 : memref<!tpu.dma_semaphore, #tpu.memory_space<semaphore_mem>>) {add = true}
      %dma_wait3A_230 = arith.constant 1 : i32
      %dma_wait3A_231 = arith.constant 0 : i32
      %dma_wait3A_232 = tpu.memref_slice %arg13[%dma_wait3A_230, %dma_wait3A_231] : memref<2x40xi32, #tpu.memory_space<vmem>> -> memref<1x40xi32, #tpu.memory_space<vmem>>
      %dma_wait3A_233 = tpu.memref_squeeze %dma_wait3A_232 : memref<1x40xi32, #tpu.memory_space<vmem>> -> memref<40xi32, #tpu.memory_space<vmem>>
      %dma_wait3A_234 = arith.constant 0 : i32
      %dma_wait3A_235 = arith.constant 0 : i32
      %dma_wait3A_236 = tpu.memref_slice %arg2[%dma_wait3A_234, %dma_wait3A_235] : memref<10000x128xf32, #tpu.memory_space<hbm>> -> memref<10000x128xf32, #tpu.memory_space<hbm>>
      tpu.wait_indirect_dma semaphore(%arg43 : memref<!tpu.dma_semaphore, #tpu.memory_space<semaphore_mem>>) src(%dma_wait3A_236 : memref<10000x128xf32, #tpu.memory_space<hbm>>) dst(%arg23 : memref<40x128xf32, #tpu.memory_space<vmem>>)
      %dma_start3A_237 = arith.constant 0 : i32
      %dma_start3A_238 = arith.constant 0 : i32
      %dma_start3A_239 = tpu.memref_slice %arg13[%dma_start3A_237, %dma_start3A_238] : memref<2x40xi32, #tpu.memory_space<vmem>> -> memref<1x40xi32, #tpu.memory_space<vmem>>
      %dma_start3A_240 = tpu.memref_squeeze %dma_start3A_239 : memref<1x40xi32, #tpu.memory_space<vmem>> -> memref<40xi32, #tpu.memory_space<vmem>>
      %dma_start3A_241 = arith.constant 0 : i32
      %dma_start3A_242 = arith.constant 0 : i32
      %dma_start3A_243 = tpu.memref_slice %arg27[%dma_start3A_241, %dma_start3A_242] : memref<10000x128xf32, #tpu.memory_space<vmem_shared>> -> memref<10000x128xf32, #tpu.memory_space<vmem_shared>>
      tpu.enqueue_indirect_dma source(%arg23 : memref<40x128xf32, #tpu.memory_space<vmem>>) target(%dma_start3A_243 : memref<10000x128xf32, #tpu.memory_space<vmem_shared>>) offsets(%dma_start3A_240 : memref<40xi32, #tpu.memory_space<vmem>>) semaphore(%arg48 : memref<!tpu.dma_semaphore, #tpu.memory_space<semaphore_mem>>) {add = true}
      %dma_start3A_244 = arith.constant 0 : i32
      %dma_start3A_245 = arith.constant 0 : i32
      %dma_start3A_246 = tpu.memref_slice %arg13[%dma_start3A_244, %dma_start3A_245] : memref<2x40xi32, #tpu.memory_space<vmem>> -> memref<1x40xi32, #tpu.memory_space<vmem>>
      %dma_start3A_247 = tpu.memref_squeeze %dma_start3A_246 : memref<1x40xi32, #tpu.memory_space<vmem>> -> memref<40xi32, #tpu.memory_space<vmem>>
      %dma_start3A_248 = arith.constant 0 : i32
      %dma_start3A_249 = arith.constant 0 : i32
      %dma_start3A_250 = tpu.memref_slice %arg28[%dma_start3A_248, %dma_start3A_249] : memref<10000x16xf32, #tpu.memory_space<vmem_shared>> -> memref<10000x16xf32, #tpu.memory_space<vmem_shared>>
      tpu.enqueue_indirect_dma source(%arg24 : memref<40x16xf32, #tpu.memory_space<vmem>>) target(%dma_start3A_250 : memref<10000x16xf32, #tpu.memory_space<vmem_shared>>) offsets(%dma_start3A_247 : memref<40xi32, #tpu.memory_space<vmem>>) semaphore(%arg48 : memref<!tpu.dma_semaphore, #tpu.memory_space<semaphore_mem>>) {add = true}
      %add3A_251 = arith.constant 0 : i32
      %add3A_252 = arith.addi %mul3A_145, %add3A_251 : i32
      %dma_wait3A_253 = arith.constant 0 : i32
      %dma_wait3A_254 = arith.constant 0 : i32
      %dma_wait3A_255 = tpu.memref_slice %arg9[%dma_wait3A_253, %dma_wait3A_254] : memref<2x40xi32, #tpu.memory_space<vmem>> -> memref<1x40xi32, #tpu.memory_space<vmem>>
      %dma_wait3A_256 = tpu.memref_squeeze %dma_wait3A_255 : memref<1x40xi32, #tpu.memory_space<vmem>> -> memref<40xi32, #tpu.memory_space<vmem>>
      %dma_wait3A_257 = arith.constant 0 : i32
      %dma_wait3A_258 = arith.constant 0 : i32
      %dma_wait3A_259 = tpu.memref_slice %arg27[%dma_wait3A_257, %dma_wait3A_258] : memref<10000x128xf32, #tpu.memory_space<vmem_shared>> -> memref<10000x128xf32, #tpu.memory_space<vmem_shared>>
      tpu.wait_indirect_dma semaphore(%arg44 : memref<!tpu.dma_semaphore, #tpu.memory_space<semaphore_mem>>) src(%arg19 : memref<40x128xf32, #tpu.memory_space<vmem>>) dst(%dma_wait3A_259 : memref<10000x128xf32, #tpu.memory_space<vmem_shared>>)
      %dma_wait3A_260 = arith.constant 0 : i32
      %dma_wait3A_261 = arith.constant 0 : i32
      %dma_wait3A_262 = tpu.memref_slice %arg9[%dma_wait3A_260, %dma_wait3A_261] : memref<2x40xi32, #tpu.memory_space<vmem>> -> memref<1x40xi32, #tpu.memory_space<vmem>>
      %dma_wait3A_263 = tpu.memref_squeeze %dma_wait3A_262 : memref<1x40xi32, #tpu.memory_space<vmem>> -> memref<40xi32, #tpu.memory_space<vmem>>
      %dma_wait3A_264 = arith.constant 0 : i32
      %dma_wait3A_265 = arith.constant 0 : i32
      %dma_wait3A_266 = tpu.memref_slice %arg28[%dma_wait3A_264, %dma_wait3A_265] : memref<10000x16xf32, #tpu.memory_space<vmem_shared>> -> memref<10000x16xf32, #tpu.memory_space<vmem_shared>>
      tpu.wait_indirect_dma semaphore(%arg44 : memref<!tpu.dma_semaphore, #tpu.memory_space<semaphore_mem>>) src(%arg24 : memref<40x16xf32, #tpu.memory_space<vmem>>) dst(%dma_wait3A_266 : memref<10000x16xf32, #tpu.memory_space<vmem_shared>>)
      %add3A_267 = arith.constant 10 : i32
      %add3A_268 = arith.addi %add3A_252, %add3A_267 : i32
      %lt3A = arith.constant 250 : i32
      %lt3A_269 = arith.cmpi slt, %add3A_268, %lt3A : i32
      %convert_element_type3A = arith.extui %lt3A_269 : i1 to i32
      %cond3A = arith.constant 0 : i32
      %cond3A_270 = arith.cmpi ne, %convert_element_type3A, %cond3A : i32
      scf.if %cond3A_270 {
        %add3A_655 = arith.constant 10 : i32
        %add3A_656 = arith.addi %add3A_252, %add3A_655 : i32
        %mul3A_657 = arith.constant 40 : i32
        %mul3A_658 = arith.muli %add3A_656, %mul3A_657 : i32
        %add3A_659 = arith.addi %mul3A_2, %mul3A_658 : i32
        %dma_start3A_660 = arith.constant 0 : i32
        %dma_start3A_661 = tpu.memref_slice %arg3[%dma_start3A_660, %add3A_659] : memref<2x320000xi32, #tpu.memory_space<hbm>> -> memref<2x40xi32, #tpu.memory_space<hbm>>
        %dma_start3A_662 = arith.constant 0 : i32
        %dma_start3A_663 = tpu.memref_slice %arg3[%dma_start3A_662, %add3A_659] : memref<2x320000xi32, #tpu.memory_space<hbm>> -> memref<2x40xi32, #tpu.memory_space<hbm>>
        tpu.enqueue_dma source(%dma_start3A_663 : memref<2x40xi32, #tpu.memory_space<hbm>>) target(%arg9 : memref<2x40xi32, #tpu.memory_space<vmem>>) target_semaphore(%arg29 : memref<!tpu.dma_semaphore, #tpu.memory_space<semaphore_mem>>)
      } else {
      }
      %add3A_271 = arith.constant 5 : i32
      %add3A_272 = arith.addi %add3A_252, %add3A_271 : i32
      %lt3A_273 = arith.constant 250 : i32
      %lt3A_274 = arith.cmpi slt, %add3A_272, %lt3A_273 : i32
      %convert_element_type3A_275 = arith.extui %lt3A_274 : i1 to i32
      %cond3A_276 = arith.constant 0 : i32
      %cond3A_277 = arith.cmpi ne, %convert_element_type3A_275, %cond3A_276 : i32
      scf.if %cond3A_277 {
        %add3A_655 = arith.constant 5 : i32
        %add3A_656 = arith.addi %add3A_252, %add3A_655 : i32
        %mul3A_657 = arith.constant 40 : i32
        %mul3A_658 = arith.muli %add3A_656, %mul3A_657 : i32
        %add3A_659 = arith.addi %mul3A_2, %mul3A_658 : i32
        %dma_wait3A_660 = arith.constant 0 : i32
        %dma_wait3A_661 = tpu.memref_slice %arg3[%dma_wait3A_660, %add3A_659] : memref<2x320000xi32, #tpu.memory_space<hbm>> -> memref<2x40xi32, #tpu.memory_space<hbm>>
        %dma_wait3A_662 = arith.constant 0 : i32
        %dma_wait3A_663 = tpu.memref_slice %arg3[%dma_wait3A_662, %add3A_659] : memref<2x320000xi32, #tpu.memory_space<hbm>> -> memref<2x40xi32, #tpu.memory_space<hbm>>
        tpu.wait_dma2 semaphore(%arg34 : memref<!tpu.dma_semaphore, #tpu.memory_space<semaphore_mem>>) src(%dma_wait3A_663 : memref<2x40xi32, #tpu.memory_space<hbm>>) dst(%arg14 : memref<2x40xi32, #tpu.memory_space<vmem>>)
        %dma_start3A_664 = arith.constant 1 : i32
        %dma_start3A_665 = arith.constant 0 : i32
        %dma_start3A_666 = tpu.memref_slice %arg14[%dma_start3A_664, %dma_start3A_665] : memref<2x40xi32, #tpu.memory_space<vmem>> -> memref<1x40xi32, #tpu.memory_space<vmem>>
        %dma_start3A_667 = tpu.memref_squeeze %dma_start3A_666 : memref<1x40xi32, #tpu.memory_space<vmem>> -> memref<40xi32, #tpu.memory_space<vmem>>
        %dma_start3A_668 = arith.constant 0 : i32
        %dma_start3A_669 = arith.constant 0 : i32
        %dma_start3A_670 = tpu.memref_slice %arg2[%dma_start3A_668, %dma_start3A_669] : memref<10000x128xf32, #tpu.memory_space<hbm>> -> memref<10000x128xf32, #tpu.memory_space<hbm>>
        tpu.enqueue_indirect_dma source(%dma_start3A_670 : memref<10000x128xf32, #tpu.memory_space<hbm>>) target(%arg19 : memref<40x128xf32, #tpu.memory_space<vmem>>) offsets(%dma_start3A_667 : memref<40xi32, #tpu.memory_space<vmem>>) semaphore(%arg39 : memref<!tpu.dma_semaphore, #tpu.memory_space<semaphore_mem>>)
      } else {
      }
      %add3A_278 = arith.constant 1 : i32
      %add3A_279 = arith.addi %mul3A_145, %add3A_278 : i32
      %dma_wait3A_280 = arith.constant 0 : i32
      %dma_wait3A_281 = arith.constant 0 : i32
      %dma_wait3A_282 = tpu.memref_slice %arg10[%dma_wait3A_280, %dma_wait3A_281] : memref<2x40xi32, #tpu.memory_space<vmem>> -> memref<1x40xi32, #tpu.memory_space<vmem>>
      %dma_wait3A_283 = tpu.memref_squeeze %dma_wait3A_282 : memref<1x40xi32, #tpu.memory_space<vmem>> -> memref<40xi32, #tpu.memory_space<vmem>>
      %dma_wait3A_284 = arith.constant 0 : i32
      %dma_wait3A_285 = arith.constant 0 : i32
      %dma_wait3A_286 = tpu.memref_slice %arg27[%dma_wait3A_284, %dma_wait3A_285] : memref<10000x128xf32, #tpu.memory_space<vmem_shared>> -> memref<10000x128xf32, #tpu.memory_space<vmem_shared>>
      tpu.wait_indirect_dma semaphore(%arg45 : memref<!tpu.dma_semaphore, #tpu.memory_space<semaphore_mem>>) src(%arg20 : memref<40x128xf32, #tpu.memory_space<vmem>>) dst(%dma_wait3A_286 : memref<10000x128xf32, #tpu.memory_space<vmem_shared>>)
      %dma_wait3A_287 = arith.constant 0 : i32
      %dma_wait3A_288 = arith.constant 0 : i32
      %dma_wait3A_289 = tpu.memref_slice %arg10[%dma_wait3A_287, %dma_wait3A_288] : memref<2x40xi32, #tpu.memory_space<vmem>> -> memref<1x40xi32, #tpu.memory_space<vmem>>
      %dma_wait3A_290 = tpu.memref_squeeze %dma_wait3A_289 : memref<1x40xi32, #tpu.memory_space<vmem>> -> memref<40xi32, #tpu.memory_space<vmem>>
      %dma_wait3A_291 = arith.constant 0 : i32
      %dma_wait3A_292 = arith.constant 0 : i32
      %dma_wait3A_293 = tpu.memref_slice %arg28[%dma_wait3A_291, %dma_wait3A_292] : memref<10000x16xf32, #tpu.memory_space<vmem_shared>> -> memref<10000x16xf32, #tpu.memory_space<vmem_shared>>
      tpu.wait_indirect_dma semaphore(%arg45 : memref<!tpu.dma_semaphore, #tpu.memory_space<semaphore_mem>>) src(%arg24 : memref<40x16xf32, #tpu.memory_space<vmem>>) dst(%dma_wait3A_293 : memref<10000x16xf32, #tpu.memory_space<vmem_shared>>)
      %add3A_294 = arith.constant 10 : i32
      %add3A_295 = arith.addi %add3A_279, %add3A_294 : i32
      %lt3A_296 = arith.constant 250 : i32
      %lt3A_297 = arith.cmpi slt, %add3A_295, %lt3A_296 : i32
      %convert_element_type3A_298 = arith.extui %lt3A_297 : i1 to i32
      %cond3A_299 = arith.constant 0 : i32
      %cond3A_300 = arith.cmpi ne, %convert_element_type3A_298, %cond3A_299 : i32
      scf.if %cond3A_300 {
        %add3A_655 = arith.constant 10 : i32
        %add3A_656 = arith.addi %add3A_279, %add3A_655 : i32
        %mul3A_657 = arith.constant 40 : i32
        %mul3A_658 = arith.muli %add3A_656, %mul3A_657 : i32
        %add3A_659 = arith.addi %mul3A_2, %mul3A_658 : i32
        %dma_start3A_660 = arith.constant 0 : i32
        %dma_start3A_661 = tpu.memref_slice %arg3[%dma_start3A_660, %add3A_659] : memref<2x320000xi32, #tpu.memory_space<hbm>> -> memref<2x40xi32, #tpu.memory_space<hbm>>
        %dma_start3A_662 = arith.constant 0 : i32
        %dma_start3A_663 = tpu.memref_slice %arg3[%dma_start3A_662, %add3A_659] : memref<2x320000xi32, #tpu.memory_space<hbm>> -> memref<2x40xi32, #tpu.memory_space<hbm>>
        tpu.enqueue_dma source(%dma_start3A_663 : memref<2x40xi32, #tpu.memory_space<hbm>>) target(%arg10 : memref<2x40xi32, #tpu.memory_space<vmem>>) target_semaphore(%arg30 : memref<!tpu.dma_semaphore, #tpu.memory_space<semaphore_mem>>)
      } else {
      }
      %add3A_301 = arith.constant 5 : i32
      %add3A_302 = arith.addi %add3A_279, %add3A_301 : i32
      %lt3A_303 = arith.constant 250 : i32
      %lt3A_304 = arith.cmpi slt, %add3A_302, %lt3A_303 : i32
      %convert_element_type3A_305 = arith.extui %lt3A_304 : i1 to i32
      %cond3A_306 = arith.constant 0 : i32
      %cond3A_307 = arith.cmpi ne, %convert_element_type3A_305, %cond3A_306 : i32
      scf.if %cond3A_307 {
        %add3A_655 = arith.constant 5 : i32
        %add3A_656 = arith.addi %add3A_279, %add3A_655 : i32
        %mul3A_657 = arith.constant 40 : i32
        %mul3A_658 = arith.muli %add3A_656, %mul3A_657 : i32
        %add3A_659 = arith.addi %mul3A_2, %mul3A_658 : i32
        %dma_wait3A_660 = arith.constant 0 : i32
        %dma_wait3A_661 = tpu.memref_slice %arg3[%dma_wait3A_660, %add3A_659] : memref<2x320000xi32, #tpu.memory_space<hbm>> -> memref<2x40xi32, #tpu.memory_space<hbm>>
        %dma_wait3A_662 = arith.constant 0 : i32
        %dma_wait3A_663 = tpu.memref_slice %arg3[%dma_wait3A_662, %add3A_659] : memref<2x320000xi32, #tpu.memory_space<hbm>> -> memref<2x40xi32, #tpu.memory_space<hbm>>
        tpu.wait_dma2 semaphore(%arg35 : memref<!tpu.dma_semaphore, #tpu.memory_space<semaphore_mem>>) src(%dma_wait3A_663 : memref<2x40xi32, #tpu.memory_space<hbm>>) dst(%arg15 : memref<2x40xi32, #tpu.memory_space<vmem>>)
        %dma_start3A_664 = arith.constant 1 : i32
        %dma_start3A_665 = arith.constant 0 : i32
        %dma_start3A_666 = tpu.memref_slice %arg15[%dma_start3A_664, %dma_start3A_665] : memref<2x40xi32, #tpu.memory_space<vmem>> -> memref<1x40xi32, #tpu.memory_space<vmem>>
        %dma_start3A_667 = tpu.memref_squeeze %dma_start3A_666 : memref<1x40xi32, #tpu.memory_space<vmem>> -> memref<40xi32, #tpu.memory_space<vmem>>
        %dma_start3A_668 = arith.constant 0 : i32
        %dma_start3A_669 = arith.constant 0 : i32
        %dma_start3A_670 = tpu.memref_slice %arg2[%dma_start3A_668, %dma_start3A_669] : memref<10000x128xf32, #tpu.memory_space<hbm>> -> memref<10000x128xf32, #tpu.memory_space<hbm>>
        tpu.enqueue_indirect_dma source(%dma_start3A_670 : memref<10000x128xf32, #tpu.memory_space<hbm>>) target(%arg20 : memref<40x128xf32, #tpu.memory_space<vmem>>) offsets(%dma_start3A_667 : memref<40xi32, #tpu.memory_space<vmem>>) semaphore(%arg40 : memref<!tpu.dma_semaphore, #tpu.memory_space<semaphore_mem>>)
      } else {
      }
      %add3A_308 = arith.constant 2 : i32
      %add3A_309 = arith.addi %mul3A_145, %add3A_308 : i32
      %dma_wait3A_310 = arith.constant 0 : i32
      %dma_wait3A_311 = arith.constant 0 : i32
      %dma_wait3A_312 = tpu.memref_slice %arg11[%dma_wait3A_310, %dma_wait3A_311] : memref<2x40xi32, #tpu.memory_space<vmem>> -> memref<1x40xi32, #tpu.memory_space<vmem>>
      %dma_wait3A_313 = tpu.memref_squeeze %dma_wait3A_312 : memref<1x40xi32, #tpu.memory_space<vmem>> -> memref<40xi32, #tpu.memory_space<vmem>>
      %dma_wait3A_314 = arith.constant 0 : i32
      %dma_wait3A_315 = arith.constant 0 : i32
      %dma_wait3A_316 = tpu.memref_slice %arg27[%dma_wait3A_314, %dma_wait3A_315] : memref<10000x128xf32, #tpu.memory_space<vmem_shared>> -> memref<10000x128xf32, #tpu.memory_space<vmem_shared>>
      tpu.wait_indirect_dma semaphore(%arg46 : memref<!tpu.dma_semaphore, #tpu.memory_space<semaphore_mem>>) src(%arg21 : memref<40x128xf32, #tpu.memory_space<vmem>>) dst(%dma_wait3A_316 : memref<10000x128xf32, #tpu.memory_space<vmem_shared>>)
      %dma_wait3A_317 = arith.constant 0 : i32
      %dma_wait3A_318 = arith.constant 0 : i32
      %dma_wait3A_319 = tpu.memref_slice %arg11[%dma_wait3A_317, %dma_wait3A_318] : memref<2x40xi32, #tpu.memory_space<vmem>> -> memref<1x40xi32, #tpu.memory_space<vmem>>
      %dma_wait3A_320 = tpu.memref_squeeze %dma_wait3A_319 : memref<1x40xi32, #tpu.memory_space<vmem>> -> memref<40xi32, #tpu.memory_space<vmem>>
      %dma_wait3A_321 = arith.constant 0 : i32
      %dma_wait3A_322 = arith.constant 0 : i32
      %dma_wait3A_323 = tpu.memref_slice %arg28[%dma_wait3A_321, %dma_wait3A_322] : memref<10000x16xf32, #tpu.memory_space<vmem_shared>> -> memref<10000x16xf32, #tpu.memory_space<vmem_shared>>
      tpu.wait_indirect_dma semaphore(%arg46 : memref<!tpu.dma_semaphore, #tpu.memory_space<semaphore_mem>>) src(%arg24 : memref<40x16xf32, #tpu.memory_space<vmem>>) dst(%dma_wait3A_323 : memref<10000x16xf32, #tpu.memory_space<vmem_shared>>)
      %add3A_324 = arith.constant 10 : i32
      %add3A_325 = arith.addi %add3A_309, %add3A_324 : i32
      %lt3A_326 = arith.constant 250 : i32
      %lt3A_327 = arith.cmpi slt, %add3A_325, %lt3A_326 : i32
      %convert_element_type3A_328 = arith.extui %lt3A_327 : i1 to i32
      %cond3A_329 = arith.constant 0 : i32
      %cond3A_330 = arith.cmpi ne, %convert_element_type3A_328, %cond3A_329 : i32
      scf.if %cond3A_330 {
        %add3A_655 = arith.constant 10 : i32
        %add3A_656 = arith.addi %add3A_309, %add3A_655 : i32
        %mul3A_657 = arith.constant 40 : i32
        %mul3A_658 = arith.muli %add3A_656, %mul3A_657 : i32
        %add3A_659 = arith.addi %mul3A_2, %mul3A_658 : i32
        %dma_start3A_660 = arith.constant 0 : i32
        %dma_start3A_661 = tpu.memref_slice %arg3[%dma_start3A_660, %add3A_659] : memref<2x320000xi32, #tpu.memory_space<hbm>> -> memref<2x40xi32, #tpu.memory_space<hbm>>
        %dma_start3A_662 = arith.constant 0 : i32
        %dma_start3A_663 = tpu.memref_slice %arg3[%dma_start3A_662, %add3A_659] : memref<2x320000xi32, #tpu.memory_space<hbm>> -> memref<2x40xi32, #tpu.memory_space<hbm>>
        tpu.enqueue_dma source(%dma_start3A_663 : memref<2x40xi32, #tpu.memory_space<hbm>>) target(%arg11 : memref<2x40xi32, #tpu.memory_space<vmem>>) target_semaphore(%arg31 : memref<!tpu.dma_semaphore, #tpu.memory_space<semaphore_mem>>)
      } else {
      }
      %add3A_331 = arith.constant 5 : i32
      %add3A_332 = arith.addi %add3A_309, %add3A_331 : i32
      %lt3A_333 = arith.constant 250 : i32
      %lt3A_334 = arith.cmpi slt, %add3A_332, %lt3A_333 : i32
      %convert_element_type3A_335 = arith.extui %lt3A_334 : i1 to i32
      %cond3A_336 = arith.constant 0 : i32
      %cond3A_337 = arith.cmpi ne, %convert_element_type3A_335, %cond3A_336 : i32
      scf.if %cond3A_337 {
        %add3A_655 = arith.constant 5 : i32
        %add3A_656 = arith.addi %add3A_309, %add3A_655 : i32
        %mul3A_657 = arith.constant 40 : i32
        %mul3A_658 = arith.muli %add3A_656, %mul3A_657 : i32
        %add3A_659 = arith.addi %mul3A_2, %mul3A_658 : i32
        %dma_wait3A_660 = arith.constant 0 : i32
        %dma_wait3A_661 = tpu.memref_slice %arg3[%dma_wait3A_660, %add3A_659] : memref<2x320000xi32, #tpu.memory_space<hbm>> -> memref<2x40xi32, #tpu.memory_space<hbm>>
        %dma_wait3A_662 = arith.constant 0 : i32
        %dma_wait3A_663 = tpu.memref_slice %arg3[%dma_wait3A_662, %add3A_659] : memref<2x320000xi32, #tpu.memory_space<hbm>> -> memref<2x40xi32, #tpu.memory_space<hbm>>
        tpu.wait_dma2 semaphore(%arg36 : memref<!tpu.dma_semaphore, #tpu.memory_space<semaphore_mem>>) src(%dma_wait3A_663 : memref<2x40xi32, #tpu.memory_space<hbm>>) dst(%arg16 : memref<2x40xi32, #tpu.memory_space<vmem>>)
        %dma_start3A_664 = arith.constant 1 : i32
        %dma_start3A_665 = arith.constant 0 : i32
        %dma_start3A_666 = tpu.memref_slice %arg16[%dma_start3A_664, %dma_start3A_665] : memref<2x40xi32, #tpu.memory_space<vmem>> -> memref<1x40xi32, #tpu.memory_space<vmem>>
        %dma_start3A_667 = tpu.memref_squeeze %dma_start3A_666 : memref<1x40xi32, #tpu.memory_space<vmem>> -> memref<40xi32, #tpu.memory_space<vmem>>
        %dma_start3A_668 = arith.constant 0 : i32
        %dma_start3A_669 = arith.constant 0 : i32
        %dma_start3A_670 = tpu.memref_slice %arg2[%dma_start3A_668, %dma_start3A_669] : memref<10000x128xf32, #tpu.memory_space<hbm>> -> memref<10000x128xf32, #tpu.memory_space<hbm>>
        tpu.enqueue_indirect_dma source(%dma_start3A_670 : memref<10000x128xf32, #tpu.memory_space<hbm>>) target(%arg21 : memref<40x128xf32, #tpu.memory_space<vmem>>) offsets(%dma_start3A_667 : memref<40xi32, #tpu.memory_space<vmem>>) semaphore(%arg41 : memref<!tpu.dma_semaphore, #tpu.memory_space<semaphore_mem>>)
      } else {
      }
      %add3A_338 = arith.constant 3 : i32
      %add3A_339 = arith.addi %mul3A_145, %add3A_338 : i32
      %dma_wait3A_340 = arith.constant 0 : i32
      %dma_wait3A_341 = arith.constant 0 : i32
      %dma_wait3A_342 = tpu.memref_slice %arg12[%dma_wait3A_340, %dma_wait3A_341] : memref<2x40xi32, #tpu.memory_space<vmem>> -> memref<1x40xi32, #tpu.memory_space<vmem>>
      %dma_wait3A_343 = tpu.memref_squeeze %dma_wait3A_342 : memref<1x40xi32, #tpu.memory_space<vmem>> -> memref<40xi32, #tpu.memory_space<vmem>>
      %dma_wait3A_344 = arith.constant 0 : i32
      %dma_wait3A_345 = arith.constant 0 : i32
      %dma_wait3A_346 = tpu.memref_slice %arg27[%dma_wait3A_344, %dma_wait3A_345] : memref<10000x128xf32, #tpu.memory_space<vmem_shared>> -> memref<10000x128xf32, #tpu.memory_space<vmem_shared>>
      tpu.wait_indirect_dma semaphore(%arg47 : memref<!tpu.dma_semaphore, #tpu.memory_space<semaphore_mem>>) src(%arg22 : memref<40x128xf32, #tpu.memory_space<vmem>>) dst(%dma_wait3A_346 : memref<10000x128xf32, #tpu.memory_space<vmem_shared>>)
      %dma_wait3A_347 = arith.constant 0 : i32
      %dma_wait3A_348 = arith.constant 0 : i32
      %dma_wait3A_349 = tpu.memref_slice %arg12[%dma_wait3A_347, %dma_wait3A_348] : memref<2x40xi32, #tpu.memory_space<vmem>> -> memref<1x40xi32, #tpu.memory_space<vmem>>
      %dma_wait3A_350 = tpu.memref_squeeze %dma_wait3A_349 : memref<1x40xi32, #tpu.memory_space<vmem>> -> memref<40xi32, #tpu.memory_space<vmem>>
      %dma_wait3A_351 = arith.constant 0 : i32
      %dma_wait3A_352 = arith.constant 0 : i32
      %dma_wait3A_353 = tpu.memref_slice %arg28[%dma_wait3A_351, %dma_wait3A_352] : memref<10000x16xf32, #tpu.memory_space<vmem_shared>> -> memref<10000x16xf32, #tpu.memory_space<vmem_shared>>
      tpu.wait_indirect_dma semaphore(%arg47 : memref<!tpu.dma_semaphore, #tpu.memory_space<semaphore_mem>>) src(%arg24 : memref<40x16xf32, #tpu.memory_space<vmem>>) dst(%dma_wait3A_353 : memref<10000x16xf32, #tpu.memory_space<vmem_shared>>)
      %add3A_354 = arith.constant 10 : i32
      %add3A_355 = arith.addi %add3A_339, %add3A_354 : i32
      %lt3A_356 = arith.constant 250 : i32
      %lt3A_357 = arith.cmpi slt, %add3A_355, %lt3A_356 : i32
      %convert_element_type3A_358 = arith.extui %lt3A_357 : i1 to i32
      %cond3A_359 = arith.constant 0 : i32
      %cond3A_360 = arith.cmpi ne, %convert_element_type3A_358, %cond3A_359 : i32
      scf.if %cond3A_360 {
        %add3A_655 = arith.constant 10 : i32
        %add3A_656 = arith.addi %add3A_339, %add3A_655 : i32
        %mul3A_657 = arith.constant 40 : i32
        %mul3A_658 = arith.muli %add3A_656, %mul3A_657 : i32
        %add3A_659 = arith.addi %mul3A_2, %mul3A_658 : i32
        %dma_start3A_660 = arith.constant 0 : i32
        %dma_start3A_661 = tpu.memref_slice %arg3[%dma_start3A_660, %add3A_659] : memref<2x320000xi32, #tpu.memory_space<hbm>> -> memref<2x40xi32, #tpu.memory_space<hbm>>
        %dma_start3A_662 = arith.constant 0 : i32
        %dma_start3A_663 = tpu.memref_slice %arg3[%dma_start3A_662, %add3A_659] : memref<2x320000xi32, #tpu.memory_space<hbm>> -> memref<2x40xi32, #tpu.memory_space<hbm>>
        tpu.enqueue_dma source(%dma_start3A_663 : memref<2x40xi32, #tpu.memory_space<hbm>>) target(%arg12 : memref<2x40xi32, #tpu.memory_space<vmem>>) target_semaphore(%arg32 : memref<!tpu.dma_semaphore, #tpu.memory_space<semaphore_mem>>)
      } else {
      }
      %add3A_361 = arith.constant 5 : i32
      %add3A_362 = arith.addi %add3A_339, %add3A_361 : i32
      %lt3A_363 = arith.constant 250 : i32
      %lt3A_364 = arith.cmpi slt, %add3A_362, %lt3A_363 : i32
      %convert_element_type3A_365 = arith.extui %lt3A_364 : i1 to i32
      %cond3A_366 = arith.constant 0 : i32
      %cond3A_367 = arith.cmpi ne, %convert_element_type3A_365, %cond3A_366 : i32
      scf.if %cond3A_367 {
        %add3A_655 = arith.constant 5 : i32
        %add3A_656 = arith.addi %add3A_339, %add3A_655 : i32
        %mul3A_657 = arith.constant 40 : i32
        %mul3A_658 = arith.muli %add3A_656, %mul3A_657 : i32
        %add3A_659 = arith.addi %mul3A_2, %mul3A_658 : i32
        %dma_wait3A_660 = arith.constant 0 : i32
        %dma_wait3A_661 = tpu.memref_slice %arg3[%dma_wait3A_660, %add3A_659] : memref<2x320000xi32, #tpu.memory_space<hbm>> -> memref<2x40xi32, #tpu.memory_space<hbm>>
        %dma_wait3A_662 = arith.constant 0 : i32
        %dma_wait3A_663 = tpu.memref_slice %arg3[%dma_wait3A_662, %add3A_659] : memref<2x320000xi32, #tpu.memory_space<hbm>> -> memref<2x40xi32, #tpu.memory_space<hbm>>
        tpu.wait_dma2 semaphore(%arg37 : memref<!tpu.dma_semaphore, #tpu.memory_space<semaphore_mem>>) src(%dma_wait3A_663 : memref<2x40xi32, #tpu.memory_space<hbm>>) dst(%arg17 : memref<2x40xi32, #tpu.memory_space<vmem>>)
        %dma_start3A_664 = arith.constant 1 : i32
        %dma_start3A_665 = arith.constant 0 : i32
        %dma_start3A_666 = tpu.memref_slice %arg17[%dma_start3A_664, %dma_start3A_665] : memref<2x40xi32, #tpu.memory_space<vmem>> -> memref<1x40xi32, #tpu.memory_space<vmem>>
        %dma_start3A_667 = tpu.memref_squeeze %dma_start3A_666 : memref<1x40xi32, #tpu.memory_space<vmem>> -> memref<40xi32, #tpu.memory_space<vmem>>
        %dma_start3A_668 = arith.constant 0 : i32
        %dma_start3A_669 = arith.constant 0 : i32
        %dma_start3A_670 = tpu.memref_slice %arg2[%dma_start3A_668, %dma_start3A_669] : memref<10000x128xf32, #tpu.memory_space<hbm>> -> memref<10000x128xf32, #tpu.memory_space<hbm>>
        tpu.enqueue_indirect_dma source(%dma_start3A_670 : memref<10000x128xf32, #tpu.memory_space<hbm>>) target(%arg22 : memref<40x128xf32, #tpu.memory_space<vmem>>) offsets(%dma_start3A_667 : memref<40xi32, #tpu.memory_space<vmem>>) semaphore(%arg42 : memref<!tpu.dma_semaphore, #tpu.memory_space<semaphore_mem>>)
      } else {
      }
      %add3A_368 = arith.constant 4 : i32
      %add3A_369 = arith.addi %mul3A_145, %add3A_368 : i32
      %dma_wait3A_370 = arith.constant 0 : i32
      %dma_wait3A_371 = arith.constant 0 : i32
      %dma_wait3A_372 = tpu.memref_slice %arg13[%dma_wait3A_370, %dma_wait3A_371] : memref<2x40xi32, #tpu.memory_space<vmem>> -> memref<1x40xi32, #tpu.memory_space<vmem>>
      %dma_wait3A_373 = tpu.memref_squeeze %dma_wait3A_372 : memref<1x40xi32, #tpu.memory_space<vmem>> -> memref<40xi32, #tpu.memory_space<vmem>>
      %dma_wait3A_374 = arith.constant 0 : i32
      %dma_wait3A_375 = arith.constant 0 : i32
      %dma_wait3A_376 = tpu.memref_slice %arg27[%dma_wait3A_374, %dma_wait3A_375] : memref<10000x128xf32, #tpu.memory_space<vmem_shared>> -> memref<10000x128xf32, #tpu.memory_space<vmem_shared>>
      tpu.wait_indirect_dma semaphore(%arg48 : memref<!tpu.dma_semaphore, #tpu.memory_space<semaphore_mem>>) src(%arg23 : memref<40x128xf32, #tpu.memory_space<vmem>>) dst(%dma_wait3A_376 : memref<10000x128xf32, #tpu.memory_space<vmem_shared>>)
      %dma_wait3A_377 = arith.constant 0 : i32
      %dma_wait3A_378 = arith.constant 0 : i32
      %dma_wait3A_379 = tpu.memref_slice %arg13[%dma_wait3A_377, %dma_wait3A_378] : memref<2x40xi32, #tpu.memory_space<vmem>> -> memref<1x40xi32, #tpu.memory_space<vmem>>
      %dma_wait3A_380 = tpu.memref_squeeze %dma_wait3A_379 : memref<1x40xi32, #tpu.memory_space<vmem>> -> memref<40xi32, #tpu.memory_space<vmem>>
      %dma_wait3A_381 = arith.constant 0 : i32
      %dma_wait3A_382 = arith.constant 0 : i32
      %dma_wait3A_383 = tpu.memref_slice %arg28[%dma_wait3A_381, %dma_wait3A_382] : memref<10000x16xf32, #tpu.memory_space<vmem_shared>> -> memref<10000x16xf32, #tpu.memory_space<vmem_shared>>
      tpu.wait_indirect_dma semaphore(%arg48 : memref<!tpu.dma_semaphore, #tpu.memory_space<semaphore_mem>>) src(%arg24 : memref<40x16xf32, #tpu.memory_space<vmem>>) dst(%dma_wait3A_383 : memref<10000x16xf32, #tpu.memory_space<vmem_shared>>)
      %add3A_384 = arith.constant 10 : i32
      %add3A_385 = arith.addi %add3A_369, %add3A_384 : i32
      %lt3A_386 = arith.constant 250 : i32
      %lt3A_387 = arith.cmpi slt, %add3A_385, %lt3A_386 : i32
      %convert_element_type3A_388 = arith.extui %lt3A_387 : i1 to i32
      %cond3A_389 = arith.constant 0 : i32
      %cond3A_390 = arith.cmpi ne, %convert_element_type3A_388, %cond3A_389 : i32
      scf.if %cond3A_390 {
        %add3A_655 = arith.constant 10 : i32
        %add3A_656 = arith.addi %add3A_369, %add3A_655 : i32
        %mul3A_657 = arith.constant 40 : i32
        %mul3A_658 = arith.muli %add3A_656, %mul3A_657 : i32
        %add3A_659 = arith.addi %mul3A_2, %mul3A_658 : i32
        %dma_start3A_660 = arith.constant 0 : i32
        %dma_start3A_661 = tpu.memref_slice %arg3[%dma_start3A_660, %add3A_659] : memref<2x320000xi32, #tpu.memory_space<hbm>> -> memref<2x40xi32, #tpu.memory_space<hbm>>
        %dma_start3A_662 = arith.constant 0 : i32
        %dma_start3A_663 = tpu.memref_slice %arg3[%dma_start3A_662, %add3A_659] : memref<2x320000xi32, #tpu.memory_space<hbm>> -> memref<2x40xi32, #tpu.memory_space<hbm>>
        tpu.enqueue_dma source(%dma_start3A_663 : memref<2x40xi32, #tpu.memory_space<hbm>>) target(%arg13 : memref<2x40xi32, #tpu.memory_space<vmem>>) target_semaphore(%arg33 : memref<!tpu.dma_semaphore, #tpu.memory_space<semaphore_mem>>)
      } else {
      }
      %add3A_391 = arith.constant 5 : i32
      %add3A_392 = arith.addi %add3A_369, %add3A_391 : i32
      %lt3A_393 = arith.constant 250 : i32
      %lt3A_394 = arith.cmpi slt, %add3A_392, %lt3A_393 : i32
      %convert_element_type3A_395 = arith.extui %lt3A_394 : i1 to i32
      %cond3A_396 = arith.constant 0 : i32
      %cond3A_397 = arith.cmpi ne, %convert_element_type3A_395, %cond3A_396 : i32
      scf.if %cond3A_397 {
        %add3A_655 = arith.constant 5 : i32
        %add3A_656 = arith.addi %add3A_369, %add3A_655 : i32
        %mul3A_657 = arith.constant 40 : i32
        %mul3A_658 = arith.muli %add3A_656, %mul3A_657 : i32
        %add3A_659 = arith.addi %mul3A_2, %mul3A_658 : i32
        %dma_wait3A_660 = arith.constant 0 : i32
        %dma_wait3A_661 = tpu.memref_slice %arg3[%dma_wait3A_660, %add3A_659] : memref<2x320000xi32, #tpu.memory_space<hbm>> -> memref<2x40xi32, #tpu.memory_space<hbm>>
        %dma_wait3A_662 = arith.constant 0 : i32
        %dma_wait3A_663 = tpu.memref_slice %arg3[%dma_wait3A_662, %add3A_659] : memref<2x320000xi32, #tpu.memory_space<hbm>> -> memref<2x40xi32, #tpu.memory_space<hbm>>
        tpu.wait_dma2 semaphore(%arg38 : memref<!tpu.dma_semaphore, #tpu.memory_space<semaphore_mem>>) src(%dma_wait3A_663 : memref<2x40xi32, #tpu.memory_space<hbm>>) dst(%arg18 : memref<2x40xi32, #tpu.memory_space<vmem>>)
        %dma_start3A_664 = arith.constant 1 : i32
        %dma_start3A_665 = arith.constant 0 : i32
        %dma_start3A_666 = tpu.memref_slice %arg18[%dma_start3A_664, %dma_start3A_665] : memref<2x40xi32, #tpu.memory_space<vmem>> -> memref<1x40xi32, #tpu.memory_space<vmem>>
        %dma_start3A_667 = tpu.memref_squeeze %dma_start3A_666 : memref<1x40xi32, #tpu.memory_space<vmem>> -> memref<40xi32, #tpu.memory_space<vmem>>
        %dma_start3A_668 = arith.constant 0 : i32
        %dma_start3A_669 = arith.constant 0 : i32
        %dma_start3A_670 = tpu.memref_slice %arg2[%dma_start3A_668, %dma_start3A_669] : memref<10000x128xf32, #tpu.memory_space<hbm>> -> memref<10000x128xf32, #tpu.memory_space<hbm>>
        tpu.enqueue_indirect_dma source(%dma_start3A_670 : memref<10000x128xf32, #tpu.memory_space<hbm>>) target(%arg23 : memref<40x128xf32, #tpu.memory_space<vmem>>) offsets(%dma_start3A_667 : memref<40xi32, #tpu.memory_space<vmem>>) semaphore(%arg43 : memref<!tpu.dma_semaphore, #tpu.memory_space<semaphore_mem>>)
      } else {
      }
      %add3A_398 = arith.constant 5 : i32
      %add3A_399 = arith.addi %mul3A_145, %add3A_398 : i32
      %dma_wait3A_400 = arith.constant 1 : i32
      %dma_wait3A_401 = arith.constant 0 : i32
      %dma_wait3A_402 = tpu.memref_slice %arg14[%dma_wait3A_400, %dma_wait3A_401] : memref<2x40xi32, #tpu.memory_space<vmem>> -> memref<1x40xi32, #tpu.memory_space<vmem>>
      %dma_wait3A_403 = tpu.memref_squeeze %dma_wait3A_402 : memref<1x40xi32, #tpu.memory_space<vmem>> -> memref<40xi32, #tpu.memory_space<vmem>>
      %dma_wait3A_404 = arith.constant 0 : i32
      %dma_wait3A_405 = arith.constant 0 : i32
      %dma_wait3A_406 = tpu.memref_slice %arg2[%dma_wait3A_404, %dma_wait3A_405] : memref<10000x128xf32, #tpu.memory_space<hbm>> -> memref<10000x128xf32, #tpu.memory_space<hbm>>
      tpu.wait_indirect_dma semaphore(%arg39 : memref<!tpu.dma_semaphore, #tpu.memory_space<semaphore_mem>>) src(%dma_wait3A_406 : memref<10000x128xf32, #tpu.memory_space<hbm>>) dst(%arg19 : memref<40x128xf32, #tpu.memory_space<vmem>>)
      %dma_start3A_407 = arith.constant 0 : i32
      %dma_start3A_408 = arith.constant 0 : i32
      %dma_start3A_409 = tpu.memref_slice %arg14[%dma_start3A_407, %dma_start3A_408] : memref<2x40xi32, #tpu.memory_space<vmem>> -> memref<1x40xi32, #tpu.memory_space<vmem>>
      %dma_start3A_410 = tpu.memref_squeeze %dma_start3A_409 : memref<1x40xi32, #tpu.memory_space<vmem>> -> memref<40xi32, #tpu.memory_space<vmem>>
      %dma_start3A_411 = arith.constant 0 : i32
      %dma_start3A_412 = arith.constant 0 : i32
      %dma_start3A_413 = tpu.memref_slice %arg27[%dma_start3A_411, %dma_start3A_412] : memref<10000x128xf32, #tpu.memory_space<vmem_shared>> -> memref<10000x128xf32, #tpu.memory_space<vmem_shared>>
      tpu.enqueue_indirect_dma source(%arg19 : memref<40x128xf32, #tpu.memory_space<vmem>>) target(%dma_start3A_413 : memref<10000x128xf32, #tpu.memory_space<vmem_shared>>) offsets(%dma_start3A_410 : memref<40xi32, #tpu.memory_space<vmem>>) semaphore(%arg44 : memref<!tpu.dma_semaphore, #tpu.memory_space<semaphore_mem>>) {add = true}
      %dma_start3A_414 = arith.constant 0 : i32
      %dma_start3A_415 = arith.constant 0 : i32
      %dma_start3A_416 = tpu.memref_slice %arg14[%dma_start3A_414, %dma_start3A_415] : memref<2x40xi32, #tpu.memory_space<vmem>> -> memref<1x40xi32, #tpu.memory_space<vmem>>
      %dma_start3A_417 = tpu.memref_squeeze %dma_start3A_416 : memref<1x40xi32, #tpu.memory_space<vmem>> -> memref<40xi32, #tpu.memory_space<vmem>>
      %dma_start3A_418 = arith.constant 0 : i32
      %dma_start3A_419 = arith.constant 0 : i32
      %dma_start3A_420 = tpu.memref_slice %arg28[%dma_start3A_418, %dma_start3A_419] : memref<10000x16xf32, #tpu.memory_space<vmem_shared>> -> memref<10000x16xf32, #tpu.memory_space<vmem_shared>>
      tpu.enqueue_indirect_dma source(%arg24 : memref<40x16xf32, #tpu.memory_space<vmem>>) target(%dma_start3A_420 : memref<10000x16xf32, #tpu.memory_space<vmem_shared>>) offsets(%dma_start3A_417 : memref<40xi32, #tpu.memory_space<vmem>>) semaphore(%arg44 : memref<!tpu.dma_semaphore, #tpu.memory_space<semaphore_mem>>) {add = true}
      %dma_wait3A_421 = arith.constant 1 : i32
      %dma_wait3A_422 = arith.constant 0 : i32
      %dma_wait3A_423 = tpu.memref_slice %arg15[%dma_wait3A_421, %dma_wait3A_422] : memref<2x40xi32, #tpu.memory_space<vmem>> -> memref<1x40xi32, #tpu.memory_space<vmem>>
      %dma_wait3A_424 = tpu.memref_squeeze %dma_wait3A_423 : memref<1x40xi32, #tpu.memory_space<vmem>> -> memref<40xi32, #tpu.memory_space<vmem>>
      %dma_wait3A_425 = arith.constant 0 : i32
      %dma_wait3A_426 = arith.constant 0 : i32
      %dma_wait3A_427 = tpu.memref_slice %arg2[%dma_wait3A_425, %dma_wait3A_426] : memref<10000x128xf32, #tpu.memory_space<hbm>> -> memref<10000x128xf32, #tpu.memory_space<hbm>>
      tpu.wait_indirect_dma semaphore(%arg40 : memref<!tpu.dma_semaphore, #tpu.memory_space<semaphore_mem>>) src(%dma_wait3A_427 : memref<10000x128xf32, #tpu.memory_space<hbm>>) dst(%arg20 : memref<40x128xf32, #tpu.memory_space<vmem>>)
      %dma_start3A_428 = arith.constant 0 : i32
      %dma_start3A_429 = arith.constant 0 : i32
      %dma_start3A_430 = tpu.memref_slice %arg15[%dma_start3A_428, %dma_start3A_429] : memref<2x40xi32, #tpu.memory_space<vmem>> -> memref<1x40xi32, #tpu.memory_space<vmem>>
      %dma_start3A_431 = tpu.memref_squeeze %dma_start3A_430 : memref<1x40xi32, #tpu.memory_space<vmem>> -> memref<40xi32, #tpu.memory_space<vmem>>
      %dma_start3A_432 = arith.constant 0 : i32
      %dma_start3A_433 = arith.constant 0 : i32
      %dma_start3A_434 = tpu.memref_slice %arg27[%dma_start3A_432, %dma_start3A_433] : memref<10000x128xf32, #tpu.memory_space<vmem_shared>> -> memref<10000x128xf32, #tpu.memory_space<vmem_shared>>
      tpu.enqueue_indirect_dma source(%arg20 : memref<40x128xf32, #tpu.memory_space<vmem>>) target(%dma_start3A_434 : memref<10000x128xf32, #tpu.memory_space<vmem_shared>>) offsets(%dma_start3A_431 : memref<40xi32, #tpu.memory_space<vmem>>) semaphore(%arg45 : memref<!tpu.dma_semaphore, #tpu.memory_space<semaphore_mem>>) {add = true}
      %dma_start3A_435 = arith.constant 0 : i32
      %dma_start3A_436 = arith.constant 0 : i32
      %dma_start3A_437 = tpu.memref_slice %arg15[%dma_start3A_435, %dma_start3A_436] : memref<2x40xi32, #tpu.memory_space<vmem>> -> memref<1x40xi32, #tpu.memory_space<vmem>>
      %dma_start3A_438 = tpu.memref_squeeze %dma_start3A_437 : memref<1x40xi32, #tpu.memory_space<vmem>> -> memref<40xi32, #tpu.memory_space<vmem>>
      %dma_start3A_439 = arith.constant 0 : i32
      %dma_start3A_440 = arith.constant 0 : i32
      %dma_start3A_441 = tpu.memref_slice %arg28[%dma_start3A_439, %dma_start3A_440] : memref<10000x16xf32, #tpu.memory_space<vmem_shared>> -> memref<10000x16xf32, #tpu.memory_space<vmem_shared>>
      tpu.enqueue_indirect_dma source(%arg24 : memref<40x16xf32, #tpu.memory_space<vmem>>) target(%dma_start3A_441 : memref<10000x16xf32, #tpu.memory_space<vmem_shared>>) offsets(%dma_start3A_438 : memref<40xi32, #tpu.memory_space<vmem>>) semaphore(%arg45 : memref<!tpu.dma_semaphore, #tpu.memory_space<semaphore_mem>>) {add = true}
      %dma_wait3A_442 = arith.constant 1 : i32
      %dma_wait3A_443 = arith.constant 0 : i32
      %dma_wait3A_444 = tpu.memref_slice %arg16[%dma_wait3A_442, %dma_wait3A_443] : memref<2x40xi32, #tpu.memory_space<vmem>> -> memref<1x40xi32, #tpu.memory_space<vmem>>
      %dma_wait3A_445 = tpu.memref_squeeze %dma_wait3A_444 : memref<1x40xi32, #tpu.memory_space<vmem>> -> memref<40xi32, #tpu.memory_space<vmem>>
      %dma_wait3A_446 = arith.constant 0 : i32
      %dma_wait3A_447 = arith.constant 0 : i32
      %dma_wait3A_448 = tpu.memref_slice %arg2[%dma_wait3A_446, %dma_wait3A_447] : memref<10000x128xf32, #tpu.memory_space<hbm>> -> memref<10000x128xf32, #tpu.memory_space<hbm>>
      tpu.wait_indirect_dma semaphore(%arg41 : memref<!tpu.dma_semaphore, #tpu.memory_space<semaphore_mem>>) src(%dma_wait3A_448 : memref<10000x128xf32, #tpu.memory_space<hbm>>) dst(%arg21 : memref<40x128xf32, #tpu.memory_space<vmem>>)
      %dma_start3A_449 = arith.constant 0 : i32
      %dma_start3A_450 = arith.constant 0 : i32
      %dma_start3A_451 = tpu.memref_slice %arg16[%dma_start3A_449, %dma_start3A_450] : memref<2x40xi32, #tpu.memory_space<vmem>> -> memref<1x40xi32, #tpu.memory_space<vmem>>
      %dma_start3A_452 = tpu.memref_squeeze %dma_start3A_451 : memref<1x40xi32, #tpu.memory_space<vmem>> -> memref<40xi32, #tpu.memory_space<vmem>>
      %dma_start3A_453 = arith.constant 0 : i32
      %dma_start3A_454 = arith.constant 0 : i32
      %dma_start3A_455 = tpu.memref_slice %arg27[%dma_start3A_453, %dma_start3A_454] : memref<10000x128xf32, #tpu.memory_space<vmem_shared>> -> memref<10000x128xf32, #tpu.memory_space<vmem_shared>>
      tpu.enqueue_indirect_dma source(%arg21 : memref<40x128xf32, #tpu.memory_space<vmem>>) target(%dma_start3A_455 : memref<10000x128xf32, #tpu.memory_space<vmem_shared>>) offsets(%dma_start3A_452 : memref<40xi32, #tpu.memory_space<vmem>>) semaphore(%arg46 : memref<!tpu.dma_semaphore, #tpu.memory_space<semaphore_mem>>) {add = true}
      %dma_start3A_456 = arith.constant 0 : i32
      %dma_start3A_457 = arith.constant 0 : i32
      %dma_start3A_458 = tpu.memref_slice %arg16[%dma_start3A_456, %dma_start3A_457] : memref<2x40xi32, #tpu.memory_space<vmem>> -> memref<1x40xi32, #tpu.memory_space<vmem>>
      %dma_start3A_459 = tpu.memref_squeeze %dma_start3A_458 : memref<1x40xi32, #tpu.memory_space<vmem>> -> memref<40xi32, #tpu.memory_space<vmem>>
      %dma_start3A_460 = arith.constant 0 : i32
      %dma_start3A_461 = arith.constant 0 : i32
      %dma_start3A_462 = tpu.memref_slice %arg28[%dma_start3A_460, %dma_start3A_461] : memref<10000x16xf32, #tpu.memory_space<vmem_shared>> -> memref<10000x16xf32, #tpu.memory_space<vmem_shared>>
      tpu.enqueue_indirect_dma source(%arg24 : memref<40x16xf32, #tpu.memory_space<vmem>>) target(%dma_start3A_462 : memref<10000x16xf32, #tpu.memory_space<vmem_shared>>) offsets(%dma_start3A_459 : memref<40xi32, #tpu.memory_space<vmem>>) semaphore(%arg46 : memref<!tpu.dma_semaphore, #tpu.memory_space<semaphore_mem>>) {add = true}
      %dma_wait3A_463 = arith.constant 1 : i32
      %dma_wait3A_464 = arith.constant 0 : i32
      %dma_wait3A_465 = tpu.memref_slice %arg17[%dma_wait3A_463, %dma_wait3A_464] : memref<2x40xi32, #tpu.memory_space<vmem>> -> memref<1x40xi32, #tpu.memory_space<vmem>>
      %dma_wait3A_466 = tpu.memref_squeeze %dma_wait3A_465 : memref<1x40xi32, #tpu.memory_space<vmem>> -> memref<40xi32, #tpu.memory_space<vmem>>
      %dma_wait3A_467 = arith.constant 0 : i32
      %dma_wait3A_468 = arith.constant 0 : i32
      %dma_wait3A_469 = tpu.memref_slice %arg2[%dma_wait3A_467, %dma_wait3A_468] : memref<10000x128xf32, #tpu.memory_space<hbm>> -> memref<10000x128xf32, #tpu.memory_space<hbm>>
      tpu.wait_indirect_dma semaphore(%arg42 : memref<!tpu.dma_semaphore, #tpu.memory_space<semaphore_mem>>) src(%dma_wait3A_469 : memref<10000x128xf32, #tpu.memory_space<hbm>>) dst(%arg22 : memref<40x128xf32, #tpu.memory_space<vmem>>)
      %dma_start3A_470 = arith.constant 0 : i32
      %dma_start3A_471 = arith.constant 0 : i32
      %dma_start3A_472 = tpu.memref_slice %arg17[%dma_start3A_470, %dma_start3A_471] : memref<2x40xi32, #tpu.memory_space<vmem>> -> memref<1x40xi32, #tpu.memory_space<vmem>>
      %dma_start3A_473 = tpu.memref_squeeze %dma_start3A_472 : memref<1x40xi32, #tpu.memory_space<vmem>> -> memref<40xi32, #tpu.memory_space<vmem>>
      %dma_start3A_474 = arith.constant 0 : i32
      %dma_start3A_475 = arith.constant 0 : i32
      %dma_start3A_476 = tpu.memref_slice %arg27[%dma_start3A_474, %dma_start3A_475] : memref<10000x128xf32, #tpu.memory_space<vmem_shared>> -> memref<10000x128xf32, #tpu.memory_space<vmem_shared>>
      tpu.enqueue_indirect_dma source(%arg22 : memref<40x128xf32, #tpu.memory_space<vmem>>) target(%dma_start3A_476 : memref<10000x128xf32, #tpu.memory_space<vmem_shared>>) offsets(%dma_start3A_473 : memref<40xi32, #tpu.memory_space<vmem>>) semaphore(%arg47 : memref<!tpu.dma_semaphore, #tpu.memory_space<semaphore_mem>>) {add = true}
      %dma_start3A_477 = arith.constant 0 : i32
      %dma_start3A_478 = arith.constant 0 : i32
      %dma_start3A_479 = tpu.memref_slice %arg17[%dma_start3A_477, %dma_start3A_478] : memref<2x40xi32, #tpu.memory_space<vmem>> -> memref<1x40xi32, #tpu.memory_space<vmem>>
      %dma_start3A_480 = tpu.memref_squeeze %dma_start3A_479 : memref<1x40xi32, #tpu.memory_space<vmem>> -> memref<40xi32, #tpu.memory_space<vmem>>
      %dma_start3A_481 = arith.constant 0 : i32
      %dma_start3A_482 = arith.constant 0 : i32
      %dma_start3A_483 = tpu.memref_slice %arg28[%dma_start3A_481, %dma_start3A_482] : memref<10000x16xf32, #tpu.memory_space<vmem_shared>> -> memref<10000x16xf32, #tpu.memory_space<vmem_shared>>
      tpu.enqueue_indirect_dma source(%arg24 : memref<40x16xf32, #tpu.memory_space<vmem>>) target(%dma_start3A_483 : memref<10000x16xf32, #tpu.memory_space<vmem_shared>>) offsets(%dma_start3A_480 : memref<40xi32, #tpu.memory_space<vmem>>) semaphore(%arg47 : memref<!tpu.dma_semaphore, #tpu.memory_space<semaphore_mem>>) {add = true}
      %dma_wait3A_484 = arith.constant 1 : i32
      %dma_wait3A_485 = arith.constant 0 : i32
      %dma_wait3A_486 = tpu.memref_slice %arg18[%dma_wait3A_484, %dma_wait3A_485] : memref<2x40xi32, #tpu.memory_space<vmem>> -> memref<1x40xi32, #tpu.memory_space<vmem>>
      %dma_wait3A_487 = tpu.memref_squeeze %dma_wait3A_486 : memref<1x40xi32, #tpu.memory_space<vmem>> -> memref<40xi32, #tpu.memory_space<vmem>>
      %dma_wait3A_488 = arith.constant 0 : i32
      %dma_wait3A_489 = arith.constant 0 : i32
      %dma_wait3A_490 = tpu.memref_slice %arg2[%dma_wait3A_488, %dma_wait3A_489] : memref<10000x128xf32, #tpu.memory_space<hbm>> -> memref<10000x128xf32, #tpu.memory_space<hbm>>
      tpu.wait_indirect_dma semaphore(%arg43 : memref<!tpu.dma_semaphore, #tpu.memory_space<semaphore_mem>>) src(%dma_wait3A_490 : memref<10000x128xf32, #tpu.memory_space<hbm>>) dst(%arg23 : memref<40x128xf32, #tpu.memory_space<vmem>>)
      %dma_start3A_491 = arith.constant 0 : i32
      %dma_start3A_492 = arith.constant 0 : i32
      %dma_start3A_493 = tpu.memref_slice %arg18[%dma_start3A_491, %dma_start3A_492] : memref<2x40xi32, #tpu.memory_space<vmem>> -> memref<1x40xi32, #tpu.memory_space<vmem>>
      %dma_start3A_494 = tpu.memref_squeeze %dma_start3A_493 : memref<1x40xi32, #tpu.memory_space<vmem>> -> memref<40xi32, #tpu.memory_space<vmem>>
      %dma_start3A_495 = arith.constant 0 : i32
      %dma_start3A_496 = arith.constant 0 : i32
      %dma_start3A_497 = tpu.memref_slice %arg27[%dma_start3A_495, %dma_start3A_496] : memref<10000x128xf32, #tpu.memory_space<vmem_shared>> -> memref<10000x128xf32, #tpu.memory_space<vmem_shared>>
      tpu.enqueue_indirect_dma source(%arg23 : memref<40x128xf32, #tpu.memory_space<vmem>>) target(%dma_start3A_497 : memref<10000x128xf32, #tpu.memory_space<vmem_shared>>) offsets(%dma_start3A_494 : memref<40xi32, #tpu.memory_space<vmem>>) semaphore(%arg48 : memref<!tpu.dma_semaphore, #tpu.memory_space<semaphore_mem>>) {add = true}
      %dma_start3A_498 = arith.constant 0 : i32
      %dma_start3A_499 = arith.constant 0 : i32
      %dma_start3A_500 = tpu.memref_slice %arg18[%dma_start3A_498, %dma_start3A_499] : memref<2x40xi32, #tpu.memory_space<vmem>> -> memref<1x40xi32, #tpu.memory_space<vmem>>
      %dma_start3A_501 = tpu.memref_squeeze %dma_start3A_500 : memref<1x40xi32, #tpu.memory_space<vmem>> -> memref<40xi32, #tpu.memory_space<vmem>>
      %dma_start3A_502 = arith.constant 0 : i32
      %dma_start3A_503 = arith.constant 0 : i32
      %dma_start3A_504 = tpu.memref_slice %arg28[%dma_start3A_502, %dma_start3A_503] : memref<10000x16xf32, #tpu.memory_space<vmem_shared>> -> memref<10000x16xf32, #tpu.memory_space<vmem_shared>>
      tpu.enqueue_indirect_dma source(%arg24 : memref<40x16xf32, #tpu.memory_space<vmem>>) target(%dma_start3A_504 : memref<10000x16xf32, #tpu.memory_space<vmem_shared>>) offsets(%dma_start3A_501 : memref<40xi32, #tpu.memory_space<vmem>>) semaphore(%arg48 : memref<!tpu.dma_semaphore, #tpu.memory_space<semaphore_mem>>) {add = true}
      %add3A_505 = arith.constant 0 : i32
      %add3A_506 = arith.addi %add3A_399, %add3A_505 : i32
      %dma_wait3A_507 = arith.constant 0 : i32
      %dma_wait3A_508 = arith.constant 0 : i32
      %dma_wait3A_509 = tpu.memref_slice %arg14[%dma_wait3A_507, %dma_wait3A_508] : memref<2x40xi32, #tpu.memory_space<vmem>> -> memref<1x40xi32, #tpu.memory_space<vmem>>
      %dma_wait3A_510 = tpu.memref_squeeze %dma_wait3A_509 : memref<1x40xi32, #tpu.memory_space<vmem>> -> memref<40xi32, #tpu.memory_space<vmem>>
      %dma_wait3A_511 = arith.constant 0 : i32
      %dma_wait3A_512 = arith.constant 0 : i32
      %dma_wait3A_513 = tpu.memref_slice %arg27[%dma_wait3A_511, %dma_wait3A_512] : memref<10000x128xf32, #tpu.memory_space<vmem_shared>> -> memref<10000x128xf32, #tpu.memory_space<vmem_shared>>
      tpu.wait_indirect_dma semaphore(%arg44 : memref<!tpu.dma_semaphore, #tpu.memory_space<semaphore_mem>>) src(%arg19 : memref<40x128xf32, #tpu.memory_space<vmem>>) dst(%dma_wait3A_513 : memref<10000x128xf32, #tpu.memory_space<vmem_shared>>)
      %dma_wait3A_514 = arith.constant 0 : i32
      %dma_wait3A_515 = arith.constant 0 : i32
      %dma_wait3A_516 = tpu.memref_slice %arg14[%dma_wait3A_514, %dma_wait3A_515] : memref<2x40xi32, #tpu.memory_space<vmem>> -> memref<1x40xi32, #tpu.memory_space<vmem>>
      %dma_wait3A_517 = tpu.memref_squeeze %dma_wait3A_516 : memref<1x40xi32, #tpu.memory_space<vmem>> -> memref<40xi32, #tpu.memory_space<vmem>>
      %dma_wait3A_518 = arith.constant 0 : i32
      %dma_wait3A_519 = arith.constant 0 : i32
      %dma_wait3A_520 = tpu.memref_slice %arg28[%dma_wait3A_518, %dma_wait3A_519] : memref<10000x16xf32, #tpu.memory_space<vmem_shared>> -> memref<10000x16xf32, #tpu.memory_space<vmem_shared>>
      tpu.wait_indirect_dma semaphore(%arg44 : memref<!tpu.dma_semaphore, #tpu.memory_space<semaphore_mem>>) src(%arg24 : memref<40x16xf32, #tpu.memory_space<vmem>>) dst(%dma_wait3A_520 : memref<10000x16xf32, #tpu.memory_space<vmem_shared>>)
      %add3A_521 = arith.constant 10 : i32
      %add3A_522 = arith.addi %add3A_506, %add3A_521 : i32
      %lt3A_523 = arith.constant 250 : i32
      %lt3A_524 = arith.cmpi slt, %add3A_522, %lt3A_523 : i32
      %convert_element_type3A_525 = arith.extui %lt3A_524 : i1 to i32
      %cond3A_526 = arith.constant 0 : i32
      %cond3A_527 = arith.cmpi ne, %convert_element_type3A_525, %cond3A_526 : i32
      scf.if %cond3A_527 {
        %add3A_655 = arith.constant 10 : i32
        %add3A_656 = arith.addi %add3A_506, %add3A_655 : i32
        %mul3A_657 = arith.constant 40 : i32
        %mul3A_658 = arith.muli %add3A_656, %mul3A_657 : i32
        %add3A_659 = arith.addi %mul3A_2, %mul3A_658 : i32
        %dma_start3A_660 = arith.constant 0 : i32
        %dma_start3A_661 = tpu.memref_slice %arg3[%dma_start3A_660, %add3A_659] : memref<2x320000xi32, #tpu.memory_space<hbm>> -> memref<2x40xi32, #tpu.memory_space<hbm>>
        %dma_start3A_662 = arith.constant 0 : i32
        %dma_start3A_663 = tpu.memref_slice %arg3[%dma_start3A_662, %add3A_659] : memref<2x320000xi32, #tpu.memory_space<hbm>> -> memref<2x40xi32, #tpu.memory_space<hbm>>
        tpu.enqueue_dma source(%dma_start3A_663 : memref<2x40xi32, #tpu.memory_space<hbm>>) target(%arg14 : memref<2x40xi32, #tpu.memory_space<vmem>>) target_semaphore(%arg34 : memref<!tpu.dma_semaphore, #tpu.memory_space<semaphore_mem>>)
      } else {
      }
      %add3A_528 = arith.constant 5 : i32
      %add3A_529 = arith.addi %add3A_506, %add3A_528 : i32
      %lt3A_530 = arith.constant 250 : i32
      %lt3A_531 = arith.cmpi slt, %add3A_529, %lt3A_530 : i32
      %convert_element_type3A_532 = arith.extui %lt3A_531 : i1 to i32
      %cond3A_533 = arith.constant 0 : i32
      %cond3A_534 = arith.cmpi ne, %convert_element_type3A_532, %cond3A_533 : i32
      scf.if %cond3A_534 {
        %add3A_655 = arith.constant 5 : i32
        %add3A_656 = arith.addi %add3A_506, %add3A_655 : i32
        %mul3A_657 = arith.constant 40 : i32
        %mul3A_658 = arith.muli %add3A_656, %mul3A_657 : i32
        %add3A_659 = arith.addi %mul3A_2, %mul3A_658 : i32
        %dma_wait3A_660 = arith.constant 0 : i32
        %dma_wait3A_661 = tpu.memref_slice %arg3[%dma_wait3A_660, %add3A_659] : memref<2x320000xi32, #tpu.memory_space<hbm>> -> memref<2x40xi32, #tpu.memory_space<hbm>>
        %dma_wait3A_662 = arith.constant 0 : i32
        %dma_wait3A_663 = tpu.memref_slice %arg3[%dma_wait3A_662, %add3A_659] : memref<2x320000xi32, #tpu.memory_space<hbm>> -> memref<2x40xi32, #tpu.memory_space<hbm>>
        tpu.wait_dma2 semaphore(%arg29 : memref<!tpu.dma_semaphore, #tpu.memory_space<semaphore_mem>>) src(%dma_wait3A_663 : memref<2x40xi32, #tpu.memory_space<hbm>>) dst(%arg9 : memref<2x40xi32, #tpu.memory_space<vmem>>)
        %dma_start3A_664 = arith.constant 1 : i32
        %dma_start3A_665 = arith.constant 0 : i32
        %dma_start3A_666 = tpu.memref_slice %arg9[%dma_start3A_664, %dma_start3A_665] : memref<2x40xi32, #tpu.memory_space<vmem>> -> memref<1x40xi32, #tpu.memory_space<vmem>>
        %dma_start3A_667 = tpu.memref_squeeze %dma_start3A_666 : memref<1x40xi32, #tpu.memory_space<vmem>> -> memref<40xi32, #tpu.memory_space<vmem>>
        %dma_start3A_668 = arith.constant 0 : i32
        %dma_start3A_669 = arith.constant 0 : i32
        %dma_start3A_670 = tpu.memref_slice %arg2[%dma_start3A_668, %dma_start3A_669] : memref<10000x128xf32, #tpu.memory_space<hbm>> -> memref<10000x128xf32, #tpu.memory_space<hbm>>
        tpu.enqueue_indirect_dma source(%dma_start3A_670 : memref<10000x128xf32, #tpu.memory_space<hbm>>) target(%arg19 : memref<40x128xf32, #tpu.memory_space<vmem>>) offsets(%dma_start3A_667 : memref<40xi32, #tpu.memory_space<vmem>>) semaphore(%arg39 : memref<!tpu.dma_semaphore, #tpu.memory_space<semaphore_mem>>)
      } else {
      }
      %add3A_535 = arith.constant 1 : i32
      %add3A_536 = arith.addi %add3A_399, %add3A_535 : i32
      %dma_wait3A_537 = arith.constant 0 : i32
      %dma_wait3A_538 = arith.constant 0 : i32
      %dma_wait3A_539 = tpu.memref_slice %arg15[%dma_wait3A_537, %dma_wait3A_538] : memref<2x40xi32, #tpu.memory_space<vmem>> -> memref<1x40xi32, #tpu.memory_space<vmem>>
      %dma_wait3A_540 = tpu.memref_squeeze %dma_wait3A_539 : memref<1x40xi32, #tpu.memory_space<vmem>> -> memref<40xi32, #tpu.memory_space<vmem>>
      %dma_wait3A_541 = arith.constant 0 : i32
      %dma_wait3A_542 = arith.constant 0 : i32
      %dma_wait3A_543 = tpu.memref_slice %arg27[%dma_wait3A_541, %dma_wait3A_542] : memref<10000x128xf32, #tpu.memory_space<vmem_shared>> -> memref<10000x128xf32, #tpu.memory_space<vmem_shared>>
      tpu.wait_indirect_dma semaphore(%arg45 : memref<!tpu.dma_semaphore, #tpu.memory_space<semaphore_mem>>) src(%arg20 : memref<40x128xf32, #tpu.memory_space<vmem>>) dst(%dma_wait3A_543 : memref<10000x128xf32, #tpu.memory_space<vmem_shared>>)
      %dma_wait3A_544 = arith.constant 0 : i32
      %dma_wait3A_545 = arith.constant 0 : i32
      %dma_wait3A_546 = tpu.memref_slice %arg15[%dma_wait3A_544, %dma_wait3A_545] : memref<2x40xi32, #tpu.memory_space<vmem>> -> memref<1x40xi32, #tpu.memory_space<vmem>>
      %dma_wait3A_547 = tpu.memref_squeeze %dma_wait3A_546 : memref<1x40xi32, #tpu.memory_space<vmem>> -> memref<40xi32, #tpu.memory_space<vmem>>
      %dma_wait3A_548 = arith.constant 0 : i32
      %dma_wait3A_549 = arith.constant 0 : i32
      %dma_wait3A_550 = tpu.memref_slice %arg28[%dma_wait3A_548, %dma_wait3A_549] : memref<10000x16xf32, #tpu.memory_space<vmem_shared>> -> memref<10000x16xf32, #tpu.memory_space<vmem_shared>>
      tpu.wait_indirect_dma semaphore(%arg45 : memref<!tpu.dma_semaphore, #tpu.memory_space<semaphore_mem>>) src(%arg24 : memref<40x16xf32, #tpu.memory_space<vmem>>) dst(%dma_wait3A_550 : memref<10000x16xf32, #tpu.memory_space<vmem_shared>>)
      %add3A_551 = arith.constant 10 : i32
      %add3A_552 = arith.addi %add3A_536, %add3A_551 : i32
      %lt3A_553 = arith.constant 250 : i32
      %lt3A_554 = arith.cmpi slt, %add3A_552, %lt3A_553 : i32
      %convert_element_type3A_555 = arith.extui %lt3A_554 : i1 to i32
      %cond3A_556 = arith.constant 0 : i32
      %cond3A_557 = arith.cmpi ne, %convert_element_type3A_555, %cond3A_556 : i32
      scf.if %cond3A_557 {
        %add3A_655 = arith.constant 10 : i32
        %add3A_656 = arith.addi %add3A_536, %add3A_655 : i32
        %mul3A_657 = arith.constant 40 : i32
        %mul3A_658 = arith.muli %add3A_656, %mul3A_657 : i32
        %add3A_659 = arith.addi %mul3A_2, %mul3A_658 : i32
        %dma_start3A_660 = arith.constant 0 : i32
        %dma_start3A_661 = tpu.memref_slice %arg3[%dma_start3A_660, %add3A_659] : memref<2x320000xi32, #tpu.memory_space<hbm>> -> memref<2x40xi32, #tpu.memory_space<hbm>>
        %dma_start3A_662 = arith.constant 0 : i32
        %dma_start3A_663 = tpu.memref_slice %arg3[%dma_start3A_662, %add3A_659] : memref<2x320000xi32, #tpu.memory_space<hbm>> -> memref<2x40xi32, #tpu.memory_space<hbm>>
        tpu.enqueue_dma source(%dma_start3A_663 : memref<2x40xi32, #tpu.memory_space<hbm>>) target(%arg15 : memref<2x40xi32, #tpu.memory_space<vmem>>) target_semaphore(%arg35 : memref<!tpu.dma_semaphore, #tpu.memory_space<semaphore_mem>>)
      } else {
      }
      %add3A_558 = arith.constant 5 : i32
      %add3A_559 = arith.addi %add3A_536, %add3A_558 : i32
      %lt3A_560 = arith.constant 250 : i32
      %lt3A_561 = arith.cmpi slt, %add3A_559, %lt3A_560 : i32
      %convert_element_type3A_562 = arith.extui %lt3A_561 : i1 to i32
      %cond3A_563 = arith.constant 0 : i32
      %cond3A_564 = arith.cmpi ne, %convert_element_type3A_562, %cond3A_563 : i32
      scf.if %cond3A_564 {
        %add3A_655 = arith.constant 5 : i32
        %add3A_656 = arith.addi %add3A_536, %add3A_655 : i32
        %mul3A_657 = arith.constant 40 : i32
        %mul3A_658 = arith.muli %add3A_656, %mul3A_657 : i32
        %add3A_659 = arith.addi %mul3A_2, %mul3A_658 : i32
        %dma_wait3A_660 = arith.constant 0 : i32
        %dma_wait3A_661 = tpu.memref_slice %arg3[%dma_wait3A_660, %add3A_659] : memref<2x320000xi32, #tpu.memory_space<hbm>> -> memref<2x40xi32, #tpu.memory_space<hbm>>
        %dma_wait3A_662 = arith.constant 0 : i32
        %dma_wait3A_663 = tpu.memref_slice %arg3[%dma_wait3A_662, %add3A_659] : memref<2x320000xi32, #tpu.memory_space<hbm>> -> memref<2x40xi32, #tpu.memory_space<hbm>>
        tpu.wait_dma2 semaphore(%arg30 : memref<!tpu.dma_semaphore, #tpu.memory_space<semaphore_mem>>) src(%dma_wait3A_663 : memref<2x40xi32, #tpu.memory_space<hbm>>) dst(%arg10 : memref<2x40xi32, #tpu.memory_space<vmem>>)
        %dma_start3A_664 = arith.constant 1 : i32
        %dma_start3A_665 = arith.constant 0 : i32
        %dma_start3A_666 = tpu.memref_slice %arg10[%dma_start3A_664, %dma_start3A_665] : memref<2x40xi32, #tpu.memory_space<vmem>> -> memref<1x40xi32, #tpu.memory_space<vmem>>
        %dma_start3A_667 = tpu.memref_squeeze %dma_start3A_666 : memref<1x40xi32, #tpu.memory_space<vmem>> -> memref<40xi32, #tpu.memory_space<vmem>>
        %dma_start3A_668 = arith.constant 0 : i32
        %dma_start3A_669 = arith.constant 0 : i32
        %dma_start3A_670 = tpu.memref_slice %arg2[%dma_start3A_668, %dma_start3A_669] : memref<10000x128xf32, #tpu.memory_space<hbm>> -> memref<10000x128xf32, #tpu.memory_space<hbm>>
        tpu.enqueue_indirect_dma source(%dma_start3A_670 : memref<10000x128xf32, #tpu.memory_space<hbm>>) target(%arg20 : memref<40x128xf32, #tpu.memory_space<vmem>>) offsets(%dma_start3A_667 : memref<40xi32, #tpu.memory_space<vmem>>) semaphore(%arg40 : memref<!tpu.dma_semaphore, #tpu.memory_space<semaphore_mem>>)
      } else {
      }
      %add3A_565 = arith.constant 2 : i32
      %add3A_566 = arith.addi %add3A_399, %add3A_565 : i32
      %dma_wait3A_567 = arith.constant 0 : i32
      %dma_wait3A_568 = arith.constant 0 : i32
      %dma_wait3A_569 = tpu.memref_slice %arg16[%dma_wait3A_567, %dma_wait3A_568] : memref<2x40xi32, #tpu.memory_space<vmem>> -> memref<1x40xi32, #tpu.memory_space<vmem>>
      %dma_wait3A_570 = tpu.memref_squeeze %dma_wait3A_569 : memref<1x40xi32, #tpu.memory_space<vmem>> -> memref<40xi32, #tpu.memory_space<vmem>>
      %dma_wait3A_571 = arith.constant 0 : i32
      %dma_wait3A_572 = arith.constant 0 : i32
      %dma_wait3A_573 = tpu.memref_slice %arg27[%dma_wait3A_571, %dma_wait3A_572] : memref<10000x128xf32, #tpu.memory_space<vmem_shared>> -> memref<10000x128xf32, #tpu.memory_space<vmem_shared>>
      tpu.wait_indirect_dma semaphore(%arg46 : memref<!tpu.dma_semaphore, #tpu.memory_space<semaphore_mem>>) src(%arg21 : memref<40x128xf32, #tpu.memory_space<vmem>>) dst(%dma_wait3A_573 : memref<10000x128xf32, #tpu.memory_space<vmem_shared>>)
      %dma_wait3A_574 = arith.constant 0 : i32
      %dma_wait3A_575 = arith.constant 0 : i32
      %dma_wait3A_576 = tpu.memref_slice %arg16[%dma_wait3A_574, %dma_wait3A_575] : memref<2x40xi32, #tpu.memory_space<vmem>> -> memref<1x40xi32, #tpu.memory_space<vmem>>
      %dma_wait3A_577 = tpu.memref_squeeze %dma_wait3A_576 : memref<1x40xi32, #tpu.memory_space<vmem>> -> memref<40xi32, #tpu.memory_space<vmem>>
      %dma_wait3A_578 = arith.constant 0 : i32
      %dma_wait3A_579 = arith.constant 0 : i32
      %dma_wait3A_580 = tpu.memref_slice %arg28[%dma_wait3A_578, %dma_wait3A_579] : memref<10000x16xf32, #tpu.memory_space<vmem_shared>> -> memref<10000x16xf32, #tpu.memory_space<vmem_shared>>
      tpu.wait_indirect_dma semaphore(%arg46 : memref<!tpu.dma_semaphore, #tpu.memory_space<semaphore_mem>>) src(%arg24 : memref<40x16xf32, #tpu.memory_space<vmem>>) dst(%dma_wait3A_580 : memref<10000x16xf32, #tpu.memory_space<vmem_shared>>)
      %add3A_581 = arith.constant 10 : i32
      %add3A_582 = arith.addi %add3A_566, %add3A_581 : i32
      %lt3A_583 = arith.constant 250 : i32
      %lt3A_584 = arith.cmpi slt, %add3A_582, %lt3A_583 : i32
      %convert_element_type3A_585 = arith.extui %lt3A_584 : i1 to i32
      %cond3A_586 = arith.constant 0 : i32
      %cond3A_587 = arith.cmpi ne, %convert_element_type3A_585, %cond3A_586 : i32
      scf.if %cond3A_587 {
        %add3A_655 = arith.constant 10 : i32
        %add3A_656 = arith.addi %add3A_566, %add3A_655 : i32
        %mul3A_657 = arith.constant 40 : i32
        %mul3A_658 = arith.muli %add3A_656, %mul3A_657 : i32
        %add3A_659 = arith.addi %mul3A_2, %mul3A_658 : i32
        %dma_start3A_660 = arith.constant 0 : i32
        %dma_start3A_661 = tpu.memref_slice %arg3[%dma_start3A_660, %add3A_659] : memref<2x320000xi32, #tpu.memory_space<hbm>> -> memref<2x40xi32, #tpu.memory_space<hbm>>
        %dma_start3A_662 = arith.constant 0 : i32
        %dma_start3A_663 = tpu.memref_slice %arg3[%dma_start3A_662, %add3A_659] : memref<2x320000xi32, #tpu.memory_space<hbm>> -> memref<2x40xi32, #tpu.memory_space<hbm>>
        tpu.enqueue_dma source(%dma_start3A_663 : memref<2x40xi32, #tpu.memory_space<hbm>>) target(%arg16 : memref<2x40xi32, #tpu.memory_space<vmem>>) target_semaphore(%arg36 : memref<!tpu.dma_semaphore, #tpu.memory_space<semaphore_mem>>)
      } else {
      }
      %add3A_588 = arith.constant 5 : i32
      %add3A_589 = arith.addi %add3A_566, %add3A_588 : i32
      %lt3A_590 = arith.constant 250 : i32
      %lt3A_591 = arith.cmpi slt, %add3A_589, %lt3A_590 : i32
      %convert_element_type3A_592 = arith.extui %lt3A_591 : i1 to i32
      %cond3A_593 = arith.constant 0 : i32
      %cond3A_594 = arith.cmpi ne, %convert_element_type3A_592, %cond3A_593 : i32
      scf.if %cond3A_594 {
        %add3A_655 = arith.constant 5 : i32
        %add3A_656 = arith.addi %add3A_566, %add3A_655 : i32
        %mul3A_657 = arith.constant 40 : i32
        %mul3A_658 = arith.muli %add3A_656, %mul3A_657 : i32
        %add3A_659 = arith.addi %mul3A_2, %mul3A_658 : i32
        %dma_wait3A_660 = arith.constant 0 : i32
        %dma_wait3A_661 = tpu.memref_slice %arg3[%dma_wait3A_660, %add3A_659] : memref<2x320000xi32, #tpu.memory_space<hbm>> -> memref<2x40xi32, #tpu.memory_space<hbm>>
        %dma_wait3A_662 = arith.constant 0 : i32
        %dma_wait3A_663 = tpu.memref_slice %arg3[%dma_wait3A_662, %add3A_659] : memref<2x320000xi32, #tpu.memory_space<hbm>> -> memref<2x40xi32, #tpu.memory_space<hbm>>
        tpu.wait_dma2 semaphore(%arg31 : memref<!tpu.dma_semaphore, #tpu.memory_space<semaphore_mem>>) src(%dma_wait3A_663 : memref<2x40xi32, #tpu.memory_space<hbm>>) dst(%arg11 : memref<2x40xi32, #tpu.memory_space<vmem>>)
        %dma_start3A_664 = arith.constant 1 : i32
        %dma_start3A_665 = arith.constant 0 : i32
        %dma_start3A_666 = tpu.memref_slice %arg11[%dma_start3A_664, %dma_start3A_665] : memref<2x40xi32, #tpu.memory_space<vmem>> -> memref<1x40xi32, #tpu.memory_space<vmem>>
        %dma_start3A_667 = tpu.memref_squeeze %dma_start3A_666 : memref<1x40xi32, #tpu.memory_space<vmem>> -> memref<40xi32, #tpu.memory_space<vmem>>
        %dma_start3A_668 = arith.constant 0 : i32
        %dma_start3A_669 = arith.constant 0 : i32
        %dma_start3A_670 = tpu.memref_slice %arg2[%dma_start3A_668, %dma_start3A_669] : memref<10000x128xf32, #tpu.memory_space<hbm>> -> memref<10000x128xf32, #tpu.memory_space<hbm>>
        tpu.enqueue_indirect_dma source(%dma_start3A_670 : memref<10000x128xf32, #tpu.memory_space<hbm>>) target(%arg21 : memref<40x128xf32, #tpu.memory_space<vmem>>) offsets(%dma_start3A_667 : memref<40xi32, #tpu.memory_space<vmem>>) semaphore(%arg41 : memref<!tpu.dma_semaphore, #tpu.memory_space<semaphore_mem>>)
      } else {
      }
      %add3A_595 = arith.constant 3 : i32
      %add3A_596 = arith.addi %add3A_399, %add3A_595 : i32
      %dma_wait3A_597 = arith.constant 0 : i32
      %dma_wait3A_598 = arith.constant 0 : i32
      %dma_wait3A_599 = tpu.memref_slice %arg17[%dma_wait3A_597, %dma_wait3A_598] : memref<2x40xi32, #tpu.memory_space<vmem>> -> memref<1x40xi32, #tpu.memory_space<vmem>>
      %dma_wait3A_600 = tpu.memref_squeeze %dma_wait3A_599 : memref<1x40xi32, #tpu.memory_space<vmem>> -> memref<40xi32, #tpu.memory_space<vmem>>
      %dma_wait3A_601 = arith.constant 0 : i32
      %dma_wait3A_602 = arith.constant 0 : i32
      %dma_wait3A_603 = tpu.memref_slice %arg27[%dma_wait3A_601, %dma_wait3A_602] : memref<10000x128xf32, #tpu.memory_space<vmem_shared>> -> memref<10000x128xf32, #tpu.memory_space<vmem_shared>>
      tpu.wait_indirect_dma semaphore(%arg47 : memref<!tpu.dma_semaphore, #tpu.memory_space<semaphore_mem>>) src(%arg22 : memref<40x128xf32, #tpu.memory_space<vmem>>) dst(%dma_wait3A_603 : memref<10000x128xf32, #tpu.memory_space<vmem_shared>>)
      %dma_wait3A_604 = arith.constant 0 : i32
      %dma_wait3A_605 = arith.constant 0 : i32
      %dma_wait3A_606 = tpu.memref_slice %arg17[%dma_wait3A_604, %dma_wait3A_605] : memref<2x40xi32, #tpu.memory_space<vmem>> -> memref<1x40xi32, #tpu.memory_space<vmem>>
      %dma_wait3A_607 = tpu.memref_squeeze %dma_wait3A_606 : memref<1x40xi32, #tpu.memory_space<vmem>> -> memref<40xi32, #tpu.memory_space<vmem>>
      %dma_wait3A_608 = arith.constant 0 : i32
      %dma_wait3A_609 = arith.constant 0 : i32
      %dma_wait3A_610 = tpu.memref_slice %arg28[%dma_wait3A_608, %dma_wait3A_609] : memref<10000x16xf32, #tpu.memory_space<vmem_shared>> -> memref<10000x16xf32, #tpu.memory_space<vmem_shared>>
      tpu.wait_indirect_dma semaphore(%arg47 : memref<!tpu.dma_semaphore, #tpu.memory_space<semaphore_mem>>) src(%arg24 : memref<40x16xf32, #tpu.memory_space<vmem>>) dst(%dma_wait3A_610 : memref<10000x16xf32, #tpu.memory_space<vmem_shared>>)
      %add3A_611 = arith.constant 10 : i32
      %add3A_612 = arith.addi %add3A_596, %add3A_611 : i32
      %lt3A_613 = arith.constant 250 : i32
      %lt3A_614 = arith.cmpi slt, %add3A_612, %lt3A_613 : i32
      %convert_element_type3A_615 = arith.extui %lt3A_614 : i1 to i32
      %cond3A_616 = arith.constant 0 : i32
      %cond3A_617 = arith.cmpi ne, %convert_element_type3A_615, %cond3A_616 : i32
      scf.if %cond3A_617 {
        %add3A_655 = arith.constant 10 : i32
        %add3A_656 = arith.addi %add3A_596, %add3A_655 : i32
        %mul3A_657 = arith.constant 40 : i32
        %mul3A_658 = arith.muli %add3A_656, %mul3A_657 : i32
        %add3A_659 = arith.addi %mul3A_2, %mul3A_658 : i32
        %dma_start3A_660 = arith.constant 0 : i32
        %dma_start3A_661 = tpu.memref_slice %arg3[%dma_start3A_660, %add3A_659] : memref<2x320000xi32, #tpu.memory_space<hbm>> -> memref<2x40xi32, #tpu.memory_space<hbm>>
        %dma_start3A_662 = arith.constant 0 : i32
        %dma_start3A_663 = tpu.memref_slice %arg3[%dma_start3A_662, %add3A_659] : memref<2x320000xi32, #tpu.memory_space<hbm>> -> memref<2x40xi32, #tpu.memory_space<hbm>>
        tpu.enqueue_dma source(%dma_start3A_663 : memref<2x40xi32, #tpu.memory_space<hbm>>) target(%arg17 : memref<2x40xi32, #tpu.memory_space<vmem>>) target_semaphore(%arg37 : memref<!tpu.dma_semaphore, #tpu.memory_space<semaphore_mem>>)
      } else {
      }
      %add3A_618 = arith.constant 5 : i32
      %add3A_619 = arith.addi %add3A_596, %add3A_618 : i32
      %lt3A_620 = arith.constant 250 : i32
      %lt3A_621 = arith.cmpi slt, %add3A_619, %lt3A_620 : i32
      %convert_element_type3A_622 = arith.extui %lt3A_621 : i1 to i32
      %cond3A_623 = arith.constant 0 : i32
      %cond3A_624 = arith.cmpi ne, %convert_element_type3A_622, %cond3A_623 : i32
      scf.if %cond3A_624 {
        %add3A_655 = arith.constant 5 : i32
        %add3A_656 = arith.addi %add3A_596, %add3A_655 : i32
        %mul3A_657 = arith.constant 40 : i32
        %mul3A_658 = arith.muli %add3A_656, %mul3A_657 : i32
        %add3A_659 = arith.addi %mul3A_2, %mul3A_658 : i32
        %dma_wait3A_660 = arith.constant 0 : i32
        %dma_wait3A_661 = tpu.memref_slice %arg3[%dma_wait3A_660, %add3A_659] : memref<2x320000xi32, #tpu.memory_space<hbm>> -> memref<2x40xi32, #tpu.memory_space<hbm>>
        %dma_wait3A_662 = arith.constant 0 : i32
        %dma_wait3A_663 = tpu.memref_slice %arg3[%dma_wait3A_662, %add3A_659] : memref<2x320000xi32, #tpu.memory_space<hbm>> -> memref<2x40xi32, #tpu.memory_space<hbm>>
        tpu.wait_dma2 semaphore(%arg32 : memref<!tpu.dma_semaphore, #tpu.memory_space<semaphore_mem>>) src(%dma_wait3A_663 : memref<2x40xi32, #tpu.memory_space<hbm>>) dst(%arg12 : memref<2x40xi32, #tpu.memory_space<vmem>>)
        %dma_start3A_664 = arith.constant 1 : i32
        %dma_start3A_665 = arith.constant 0 : i32
        %dma_start3A_666 = tpu.memref_slice %arg12[%dma_start3A_664, %dma_start3A_665] : memref<2x40xi32, #tpu.memory_space<vmem>> -> memref<1x40xi32, #tpu.memory_space<vmem>>
        %dma_start3A_667 = tpu.memref_squeeze %dma_start3A_666 : memref<1x40xi32, #tpu.memory_space<vmem>> -> memref<40xi32, #tpu.memory_space<vmem>>
        %dma_start3A_668 = arith.constant 0 : i32
        %dma_start3A_669 = arith.constant 0 : i32
        %dma_start3A_670 = tpu.memref_slice %arg2[%dma_start3A_668, %dma_start3A_669] : memref<10000x128xf32, #tpu.memory_space<hbm>> -> memref<10000x128xf32, #tpu.memory_space<hbm>>
        tpu.enqueue_indirect_dma source(%dma_start3A_670 : memref<10000x128xf32, #tpu.memory_space<hbm>>) target(%arg22 : memref<40x128xf32, #tpu.memory_space<vmem>>) offsets(%dma_start3A_667 : memref<40xi32, #tpu.memory_space<vmem>>) semaphore(%arg42 : memref<!tpu.dma_semaphore, #tpu.memory_space<semaphore_mem>>)
      } else {
      }
      %add3A_625 = arith.constant 4 : i32
      %add3A_626 = arith.addi %add3A_399, %add3A_625 : i32
      %dma_wait3A_627 = arith.constant 0 : i32
      %dma_wait3A_628 = arith.constant 0 : i32
      %dma_wait3A_629 = tpu.memref_slice %arg18[%dma_wait3A_627, %dma_wait3A_628] : memref<2x40xi32, #tpu.memory_space<vmem>> -> memref<1x40xi32, #tpu.memory_space<vmem>>
      %dma_wait3A_630 = tpu.memref_squeeze %dma_wait3A_629 : memref<1x40xi32, #tpu.memory_space<vmem>> -> memref<40xi32, #tpu.memory_space<vmem>>
      %dma_wait3A_631 = arith.constant 0 : i32
      %dma_wait3A_632 = arith.constant 0 : i32
      %dma_wait3A_633 = tpu.memref_slice %arg27[%dma_wait3A_631, %dma_wait3A_632] : memref<10000x128xf32, #tpu.memory_space<vmem_shared>> -> memref<10000x128xf32, #tpu.memory_space<vmem_shared>>
      tpu.wait_indirect_dma semaphore(%arg48 : memref<!tpu.dma_semaphore, #tpu.memory_space<semaphore_mem>>) src(%arg23 : memref<40x128xf32, #tpu.memory_space<vmem>>) dst(%dma_wait3A_633 : memref<10000x128xf32, #tpu.memory_space<vmem_shared>>)
      %dma_wait3A_634 = arith.constant 0 : i32
      %dma_wait3A_635 = arith.constant 0 : i32
      %dma_wait3A_636 = tpu.memref_slice %arg18[%dma_wait3A_634, %dma_wait3A_635] : memref<2x40xi32, #tpu.memory_space<vmem>> -> memref<1x40xi32, #tpu.memory_space<vmem>>
      %dma_wait3A_637 = tpu.memref_squeeze %dma_wait3A_636 : memref<1x40xi32, #tpu.memory_space<vmem>> -> memref<40xi32, #tpu.memory_space<vmem>>
      %dma_wait3A_638 = arith.constant 0 : i32
      %dma_wait3A_639 = arith.constant 0 : i32
      %dma_wait3A_640 = tpu.memref_slice %arg28[%dma_wait3A_638, %dma_wait3A_639] : memref<10000x16xf32, #tpu.memory_space<vmem_shared>> -> memref<10000x16xf32, #tpu.memory_space<vmem_shared>>
      tpu.wait_indirect_dma semaphore(%arg48 : memref<!tpu.dma_semaphore, #tpu.memory_space<semaphore_mem>>) src(%arg24 : memref<40x16xf32, #tpu.memory_space<vmem>>) dst(%dma_wait3A_640 : memref<10000x16xf32, #tpu.memory_space<vmem_shared>>)
      %add3A_641 = arith.constant 10 : i32
      %add3A_642 = arith.addi %add3A_626, %add3A_641 : i32
      %lt3A_643 = arith.constant 250 : i32
      %lt3A_644 = arith.cmpi slt, %add3A_642, %lt3A_643 : i32
      %convert_element_type3A_645 = arith.extui %lt3A_644 : i1 to i32
      %cond3A_646 = arith.constant 0 : i32
      %cond3A_647 = arith.cmpi ne, %convert_element_type3A_645, %cond3A_646 : i32
      scf.if %cond3A_647 {
        %add3A_655 = arith.constant 10 : i32
        %add3A_656 = arith.addi %add3A_626, %add3A_655 : i32
        %mul3A_657 = arith.constant 40 : i32
        %mul3A_658 = arith.muli %add3A_656, %mul3A_657 : i32
        %add3A_659 = arith.addi %mul3A_2, %mul3A_658 : i32
        %dma_start3A_660 = arith.constant 0 : i32
        %dma_start3A_661 = tpu.memref_slice %arg3[%dma_start3A_660, %add3A_659] : memref<2x320000xi32, #tpu.memory_space<hbm>> -> memref<2x40xi32, #tpu.memory_space<hbm>>
        %dma_start3A_662 = arith.constant 0 : i32
        %dma_start3A_663 = tpu.memref_slice %arg3[%dma_start3A_662, %add3A_659] : memref<2x320000xi32, #tpu.memory_space<hbm>> -> memref<2x40xi32, #tpu.memory_space<hbm>>
        tpu.enqueue_dma source(%dma_start3A_663 : memref<2x40xi32, #tpu.memory_space<hbm>>) target(%arg18 : memref<2x40xi32, #tpu.memory_space<vmem>>) target_semaphore(%arg38 : memref<!tpu.dma_semaphore, #tpu.memory_space<semaphore_mem>>)
      } else {
      }
      %add3A_648 = arith.constant 5 : i32
      %add3A_649 = arith.addi %add3A_626, %add3A_648 : i32
      %lt3A_650 = arith.constant 250 : i32
      %lt3A_651 = arith.cmpi slt, %add3A_649, %lt3A_650 : i32
      %convert_element_type3A_652 = arith.extui %lt3A_651 : i1 to i32
      %cond3A_653 = arith.constant 0 : i32
      %cond3A_654 = arith.cmpi ne, %convert_element_type3A_652, %cond3A_653 : i32
      scf.if %cond3A_654 {
        %add3A_655 = arith.constant 5 : i32
        %add3A_656 = arith.addi %add3A_626, %add3A_655 : i32
        %mul3A_657 = arith.constant 40 : i32
        %mul3A_658 = arith.muli %add3A_656, %mul3A_657 : i32
        %add3A_659 = arith.addi %mul3A_2, %mul3A_658 : i32
        %dma_wait3A_660 = arith.constant 0 : i32
        %dma_wait3A_661 = tpu.memref_slice %arg3[%dma_wait3A_660, %add3A_659] : memref<2x320000xi32, #tpu.memory_space<hbm>> -> memref<2x40xi32, #tpu.memory_space<hbm>>
        %dma_wait3A_662 = arith.constant 0 : i32
        %dma_wait3A_663 = tpu.memref_slice %arg3[%dma_wait3A_662, %add3A_659] : memref<2x320000xi32, #tpu.memory_space<hbm>> -> memref<2x40xi32, #tpu.memory_space<hbm>>
        tpu.wait_dma2 semaphore(%arg33 : memref<!tpu.dma_semaphore, #tpu.memory_space<semaphore_mem>>) src(%dma_wait3A_663 : memref<2x40xi32, #tpu.memory_space<hbm>>) dst(%arg13 : memref<2x40xi32, #tpu.memory_space<vmem>>)
        %dma_start3A_664 = arith.constant 1 : i32
        %dma_start3A_665 = arith.constant 0 : i32
        %dma_start3A_666 = tpu.memref_slice %arg13[%dma_start3A_664, %dma_start3A_665] : memref<2x40xi32, #tpu.memory_space<vmem>> -> memref<1x40xi32, #tpu.memory_space<vmem>>
        %dma_start3A_667 = tpu.memref_squeeze %dma_start3A_666 : memref<1x40xi32, #tpu.memory_space<vmem>> -> memref<40xi32, #tpu.memory_space<vmem>>
        %dma_start3A_668 = arith.constant 0 : i32
        %dma_start3A_669 = arith.constant 0 : i32
        %dma_start3A_670 = tpu.memref_slice %arg2[%dma_start3A_668, %dma_start3A_669] : memref<10000x128xf32, #tpu.memory_space<hbm>> -> memref<10000x128xf32, #tpu.memory_space<hbm>>
        tpu.enqueue_indirect_dma source(%dma_start3A_670 : memref<10000x128xf32, #tpu.memory_space<hbm>>) target(%arg23 : memref<40x128xf32, #tpu.memory_space<vmem>>) offsets(%dma_start3A_667 : memref<40xi32, #tpu.memory_space<vmem>>) semaphore(%arg43 : memref<!tpu.dma_semaphore, #tpu.memory_space<semaphore_mem>>)
      } else {
      }
    }
    %scan3A_134 = arith.constant 25 : i32
    %barrier3A_135 = arith.constant 0 : index
    tpu.barrier barrier_id(%barrier3A_135)
    %scan3A_136 = arith.constant 0 : i32
    %scan3A_137 = arith.constant 16 : i32
    %scan3A_138 = arith.addi %scan3A_136, %scan3A_137 : i32
    %scan3A_139 = arith.constant 1 : i32
    scf.for %scan3A_141 = %scan3A_136 to %scan3A_138 step %scan3A_139  : i32 {
      %mul3A_142 = arith.constant 16 : i32
      %mul3A_143 = arith.muli %scan3A_141, %mul3A_142 : i32
      %add3A_144 = arith.addi %arg1, %mul3A_143 : i32
      %lt3A = arith.constant 250 : i32
      %lt3A_145 = arith.cmpi slt, %add3A_144, %lt3A : i32
      %convert_element_type3A = arith.extui %lt3A_145 : i1 to i32
      %cond3A = arith.constant 0 : i32
      %cond3A_146 = arith.cmpi ne, %convert_element_type3A, %cond3A : i32
      scf.if %cond3A_146 {
        %mul3A_147 = arith.constant 40 : i32
        %mul3A_148 = arith.muli %add3A_144, %mul3A_147 : i32
        "tpu.region"() ({
          %run_scoped3A = tpu.sem_alloc : memref<!tpu.dma_semaphore, #tpu.memory_space<semaphore_mem>>
          %dma_start3A_161 = arith.constant 0 : i32
          %dma_start3A_162 = tpu.memref_slice %arg27[%mul3A_148, %dma_start3A_161] : memref<10000x128xf32, #tpu.memory_space<vmem_shared>> -> memref<40x128xf32, #tpu.memory_space<vmem_shared>>
          %dma_start3A_163 = arith.constant 0 : i32
          %dma_start3A_164 = tpu.memref_slice %arg27[%mul3A_148, %dma_start3A_163] : memref<10000x128xf32, #tpu.memory_space<vmem_shared>> -> memref<40x128xf32, #tpu.memory_space<vmem_shared>>
          tpu.enqueue_dma source(%dma_start3A_164 : memref<40x128xf32, #tpu.memory_space<vmem_shared>>) target(%arg25 : memref<40x128xf32, #tpu.memory_space<vmem>>) target_semaphore(%run_scoped3A : memref<!tpu.dma_semaphore, #tpu.memory_space<semaphore_mem>>)
          %dma_wait3A_165 = arith.constant 0 : i32
          %dma_wait3A_166 = tpu.memref_slice %arg27[%mul3A_148, %dma_wait3A_165] : memref<10000x128xf32, #tpu.memory_space<vmem_shared>> -> memref<40x128xf32, #tpu.memory_space<vmem_shared>>
          %dma_wait3A_167 = arith.constant 0 : i32
          %dma_wait3A_168 = tpu.memref_slice %arg27[%mul3A_148, %dma_wait3A_167] : memref<10000x128xf32, #tpu.memory_space<vmem_shared>> -> memref<40x128xf32, #tpu.memory_space<vmem_shared>>
          tpu.wait_dma2 semaphore(%run_scoped3A : memref<!tpu.dma_semaphore, #tpu.memory_space<semaphore_mem>>) src(%dma_wait3A_168 : memref<40x128xf32, #tpu.memory_space<vmem_shared>>) dst(%arg25 : memref<40x128xf32, #tpu.memory_space<vmem>>)
          tpu.yield
        }) : () -> ()
        %mul3A_149 = arith.constant 10000 : i32
        %mul3A_150 = arith.muli %arg0, %mul3A_149 : i32
        %mul3A_151 = arith.constant 40 : i32
        %mul3A_152 = arith.muli %add3A_144, %mul3A_151 : i32
        %add3A_153 = arith.addi %mul3A_150, %mul3A_152 : i32
        "tpu.region"() ({
          %run_scoped3A = tpu.sem_alloc : memref<!tpu.dma_semaphore, #tpu.memory_space<semaphore_mem>>
          %dma_start3A_161 = arith.constant 0 : i32
          %dma_start3A_162 = tpu.memref_slice %arg7[%add3A_153, %dma_start3A_161] : memref<20000x128xf32, #tpu.memory_space<hbm>> -> memref<40x128xf32, #tpu.memory_space<hbm>>
          %dma_start3A_163 = arith.constant 0 : i32
          %dma_start3A_164 = tpu.memref_slice %arg7[%add3A_153, %dma_start3A_163] : memref<20000x128xf32, #tpu.memory_space<hbm>> -> memref<40x128xf32, #tpu.memory_space<hbm>>
          tpu.enqueue_dma source(%arg25 : memref<40x128xf32, #tpu.memory_space<vmem>>) target(%dma_start3A_164 : memref<40x128xf32, #tpu.memory_space<hbm>>) target_semaphore(%run_scoped3A : memref<!tpu.dma_semaphore, #tpu.memory_space<semaphore_mem>>)
          %dma_wait3A_165 = arith.constant 0 : i32
          %dma_wait3A_166 = tpu.memref_slice %arg7[%add3A_153, %dma_wait3A_165] : memref<20000x128xf32, #tpu.memory_space<hbm>> -> memref<40x128xf32, #tpu.memory_space<hbm>>
          %dma_wait3A_167 = arith.constant 0 : i32
          %dma_wait3A_168 = tpu.memref_slice %arg7[%add3A_153, %dma_wait3A_167] : memref<20000x128xf32, #tpu.memory_space<hbm>> -> memref<40x128xf32, #tpu.memory_space<hbm>>
          tpu.wait_dma2 semaphore(%run_scoped3A : memref<!tpu.dma_semaphore, #tpu.memory_space<semaphore_mem>>) src(%arg25 : memref<40x128xf32, #tpu.memory_space<vmem>>) dst(%dma_wait3A_168 : memref<40x128xf32, #tpu.memory_space<hbm>>)
          tpu.yield
        }) : () -> ()
        %mul3A_154 = arith.constant 40 : i32
        %mul3A_155 = arith.muli %add3A_144, %mul3A_154 : i32
        "tpu.region"() ({
          %run_scoped3A = tpu.sem_alloc : memref<!tpu.dma_semaphore, #tpu.memory_space<semaphore_mem>>
          %dma_start3A_161 = arith.constant 0 : i32
          %dma_start3A_162 = tpu.memref_slice %arg28[%mul3A_155, %dma_start3A_161] : memref<10000x16xf32, #tpu.memory_space<vmem_shared>> -> memref<40x16xf32, #tpu.memory_space<vmem_shared>>
          %dma_start3A_163 = arith.constant 0 : i32
          %dma_start3A_164 = tpu.memref_slice %arg28[%mul3A_155, %dma_start3A_163] : memref<10000x16xf32, #tpu.memory_space<vmem_shared>> -> memref<40x16xf32, #tpu.memory_space<vmem_shared>>
          tpu.enqueue_dma source(%dma_start3A_164 : memref<40x16xf32, #tpu.memory_space<vmem_shared>>) target(%arg26 : memref<40x16xf32, #tpu.memory_space<vmem>>) target_semaphore(%run_scoped3A : memref<!tpu.dma_semaphore, #tpu.memory_space<semaphore_mem>>)
          %dma_wait3A_165 = arith.constant 0 : i32
          %dma_wait3A_166 = tpu.memref_slice %arg28[%mul3A_155, %dma_wait3A_165] : memref<10000x16xf32, #tpu.memory_space<vmem_shared>> -> memref<40x16xf32, #tpu.memory_space<vmem_shared>>
          %dma_wait3A_167 = arith.constant 0 : i32
          %dma_wait3A_168 = tpu.memref_slice %arg28[%mul3A_155, %dma_wait3A_167] : memref<10000x16xf32, #tpu.memory_space<vmem_shared>> -> memref<40x16xf32, #tpu.memory_space<vmem_shared>>
          tpu.wait_dma2 semaphore(%run_scoped3A : memref<!tpu.dma_semaphore, #tpu.memory_space<semaphore_mem>>) src(%dma_wait3A_168 : memref<40x16xf32, #tpu.memory_space<vmem_shared>>) dst(%arg26 : memref<40x16xf32, #tpu.memory_space<vmem>>)
          tpu.yield
        }) : () -> ()
        %mul3A_156 = arith.constant 10000 : i32
        %mul3A_157 = arith.muli %arg0, %mul3A_156 : i32
        %mul3A_158 = arith.constant 40 : i32
        %mul3A_159 = arith.muli %add3A_144, %mul3A_158 : i32
        %add3A_160 = arith.addi %mul3A_157, %mul3A_159 : i32
        "tpu.region"() ({
          %run_scoped3A = tpu.sem_alloc : memref<!tpu.dma_semaphore, #tpu.memory_space<semaphore_mem>>
          %dma_start3A_161 = arith.constant 0 : i32
          %dma_start3A_162 = tpu.memref_slice %arg8[%add3A_160, %dma_start3A_161] : memref<20000x128xf32, #tpu.memory_space<hbm>> -> memref<40x16xf32, #tpu.memory_space<hbm>>
          %dma_start3A_163 = arith.constant 0 : i32
          %dma_start3A_164 = tpu.memref_slice %arg8[%add3A_160, %dma_start3A_163] : memref<20000x128xf32, #tpu.memory_space<hbm>> -> memref<40x16xf32, #tpu.memory_space<hbm>>
          tpu.enqueue_dma source(%arg26 : memref<40x16xf32, #tpu.memory_space<vmem>>) target(%dma_start3A_164 : memref<40x16xf32, #tpu.memory_space<hbm>>) target_semaphore(%run_scoped3A : memref<!tpu.dma_semaphore, #tpu.memory_space<semaphore_mem>>)
          %dma_wait3A_165 = arith.constant 0 : i32
          %dma_wait3A_166 = tpu.memref_slice %arg8[%add3A_160, %dma_wait3A_165] : memref<20000x128xf32, #tpu.memory_space<hbm>> -> memref<40x16xf32, #tpu.memory_space<hbm>>
          %dma_wait3A_167 = arith.constant 0 : i32
          %dma_wait3A_168 = tpu.memref_slice %arg8[%add3A_160, %dma_wait3A_167] : memref<20000x128xf32, #tpu.memory_space<hbm>> -> memref<40x16xf32, #tpu.memory_space<hbm>>
          tpu.wait_dma2 semaphore(%run_scoped3A : memref<!tpu.dma_semaphore, #tpu.memory_space<semaphore_mem>>) src(%arg26 : memref<40x16xf32, #tpu.memory_space<vmem>>) dst(%dma_wait3A_168 : memref<40x16xf32, #tpu.memory_space<hbm>>)
          tpu.yield
        }) : () -> ()
      } else {
      }
    }
    %scan3A_140 = arith.constant 16 : i32
    return
  }
}

module attributes {stable_mosaic.version = 14 : i64} {
  func.func @_mlp_body(%arg0: i32, %arg1: memref<2000x128xf32, #tpu.memory_space<vmem>>, %arg2: memref<2000x128xf32, #tpu.memory_space<vmem>>, %arg3: memref<2000x128xf32, #tpu.memory_space<vmem>>, %arg4: memref<2000x128xf32, #tpu.memory_space<vmem>>, %arg5: memref<2000x128xf32, #tpu.memory_space<vmem>>, %arg6: memref<128x256xf32, #tpu.memory_space<vmem>>, %arg7: memref<1x128xf32, #tpu.memory_space<vmem>>, %arg8: memref<128x128xf32, #tpu.memory_space<vmem>>, %arg9: memref<1x128xf32, #tpu.memory_space<vmem>>, %arg10: memref<128x128xf32, #tpu.memory_space<vmem>>, %arg11: memref<1x128xf32, #tpu.memory_space<vmem>>, %arg12: memref<128x128xf32, #tpu.memory_space<vmem>>, %arg13: memref<1x128xf32, #tpu.memory_space<vmem>>, %arg14: memref<2000x128xf32, #tpu.memory_space<vmem>>) attributes {dimension_semantics = [#tpu.dimension_semantics<arbitrary>], iteration_bounds = array<i64: 5>, scalar_prefetch = 0 : i64, scratch_operands = 0 : i64, tpu.core_type = #tpu.core_type<tc>, window_params = [{transform_indices = @transform_0, window_bounds = array<i64: 2000, 128>}, {transform_indices = @transform_1, window_bounds = array<i64: 2000, 128>}, {transform_indices = @transform_2, window_bounds = array<i64: 2000, 128>}, {transform_indices = @transform_3, window_bounds = array<i64: 2000, 128>}, {transform_indices = @transform_4, window_bounds = array<i64: 2000, 128>}, {pipeline_mode = #tpu.pipeline_mode<synchronous>, transform_indices = @transform_5, window_bounds = array<i64: 128, 256>}, {pipeline_mode = #tpu.pipeline_mode<synchronous>, transform_indices = @transform_6, window_bounds = array<i64: 1, 128>}, {pipeline_mode = #tpu.pipeline_mode<synchronous>, transform_indices = @transform_7, window_bounds = array<i64: 128, 128>}, {pipeline_mode = #tpu.pipeline_mode<synchronous>, transform_indices = @transform_8, window_bounds = array<i64: 1, 128>}, {pipeline_mode = #tpu.pipeline_mode<synchronous>, transform_indices = @transform_9, window_bounds = array<i64: 128, 128>}, {pipeline_mode = #tpu.pipeline_mode<synchronous>, transform_indices = @transform_10, window_bounds = array<i64: 1, 128>}, {pipeline_mode = #tpu.pipeline_mode<synchronous>, transform_indices = @transform_11, window_bounds = array<i64: 128, 128>}, {pipeline_mode = #tpu.pipeline_mode<synchronous>, transform_indices = @transform_12, window_bounds = array<i64: 1, 128>}, {transform_indices = @transform_13, window_bounds = array<i64: 2000, 128>}]} {
    %get3A = arith.constant 0 : index
    %get3A_0 = arith.constant 0 : index
    %get3A_1 = vector.load %arg2[%get3A, %get3A_0] : memref<2000x128xf32, #tpu.memory_space<vmem>>, vector<2000x128xf32>
    %get3A_2 = arith.constant 0 : index
    %get3A_3 = arith.constant 0 : index
    %get3A_4 = vector.load %arg3[%get3A_2, %get3A_3] : memref<2000x128xf32, #tpu.memory_space<vmem>>, vector<2000x128xf32>
    %add3A = arith.addf %get3A_1, %get3A_4 : vector<2000x128xf32>
    %get3A_5 = arith.constant 0 : index
    %get3A_6 = arith.constant 0 : index
    %get3A_7 = vector.load %arg4[%get3A_5, %get3A_6] : memref<2000x128xf32, #tpu.memory_space<vmem>>, vector<2000x1xf32>
    %get3A_8 = arith.constant 0 : index
    %get3A_9 = arith.constant 0 : index
    %get3A_10 = vector.load %arg5[%get3A_8, %get3A_9] : memref<2000x128xf32, #tpu.memory_space<vmem>>, vector<2000x1xf32>
    %add3A_11 = arith.addf %get3A_7, %get3A_10 : vector<2000x1xf32>
    %max3A = arith.constant 1.000000e+00 : f32
    %max3A_12 = vector.broadcast %max3A : f32 to vector<2000x1xf32>
    %max3A_13 = arith.maximumf %add3A_11, %max3A_12 : vector<2000x1xf32>
    %div3A = vector.broadcast %max3A_13 : vector<2000x1xf32> to vector<2000x128xf32>
    %div3A_14 = arith.divf %add3A, %div3A : vector<2000x128xf32>
    %get3A_15 = arith.constant 0 : index
    %get3A_16 = arith.constant 0 : index
    %get3A_17 = vector.load %arg1[%get3A_15, %get3A_16] : memref<2000x128xf32, #tpu.memory_space<vmem>>, vector<2000x128xf32>
    %concatenate3A = tpu.concatenate %get3A_17, %div3A_14 in 1 : vector<2000x128xf32>, vector<2000x128xf32> -> vector<2000x256xf32>
    %get3A_18 = arith.constant 0 : index
    %get3A_19 = arith.constant 0 : index
    %get3A_20 = vector.load %arg6[%get3A_18, %get3A_19] : memref<128x256xf32, #tpu.memory_space<vmem>>, vector<128x256xf32>
    %dot_general3A = arith.constant dense<0.000000e+00> : vector<2000x128xf32>
    %dot_general3A_21 = tpu.matmul %concatenate3A, %get3A_20, %dot_general3A {dimension_numbers = #tpu.dot_dimension_numbers<[1], [1], [0], [0], [0, 0, 1, 0], [], []>, transpose_lhs_hint = false} : vector<2000x256xf32>, vector<128x256xf32>, vector<2000x128xf32> -> vector<2000x128xf32>
    %get3A_22 = arith.constant 0 : index
    %get3A_23 = arith.constant 0 : index
    %get3A_24 = vector.load %arg7[%get3A_22, %get3A_23] : memref<1x128xf32, #tpu.memory_space<vmem>>, vector<1x128xf32>
    %add3A_25 = vector.broadcast %get3A_24 : vector<1x128xf32> to vector<2000x128xf32>
    %add3A_26 = arith.addf %dot_general3A_21, %add3A_25 : vector<2000x128xf32>
    %max3A_27 = arith.constant 0.000000e+00 : f32
    %max3A_28 = vector.broadcast %max3A_27 : f32 to vector<2000x128xf32>
    %max3A_29 = arith.maximumf %add3A_26, %max3A_28 : vector<2000x128xf32>
    %get3A_30 = arith.constant 0 : index
    %get3A_31 = arith.constant 0 : index
    %get3A_32 = vector.load %arg8[%get3A_30, %get3A_31] : memref<128x128xf32, #tpu.memory_space<vmem>>, vector<128x128xf32>
    %dot_general3A_33 = arith.constant dense<0.000000e+00> : vector<2000x128xf32>
    %dot_general3A_34 = tpu.matmul %max3A_29, %get3A_32, %dot_general3A_33 {dimension_numbers = #tpu.dot_dimension_numbers<[1], [1], [0], [0], [0, 0, 1, 0], [], []>, transpose_lhs_hint = false} : vector<2000x128xf32>, vector<128x128xf32>, vector<2000x128xf32> -> vector<2000x128xf32>
    %get3A_35 = arith.constant 0 : index
    %get3A_36 = arith.constant 0 : index
    %get3A_37 = vector.load %arg9[%get3A_35, %get3A_36] : memref<1x128xf32, #tpu.memory_space<vmem>>, vector<1x128xf32>
    %add3A_38 = vector.broadcast %get3A_37 : vector<1x128xf32> to vector<2000x128xf32>
    %add3A_39 = arith.addf %dot_general3A_34, %add3A_38 : vector<2000x128xf32>
    %max3A_40 = arith.constant 0.000000e+00 : f32
    %max3A_41 = vector.broadcast %max3A_40 : f32 to vector<2000x128xf32>
    %max3A_42 = arith.maximumf %add3A_39, %max3A_41 : vector<2000x128xf32>
    %get3A_43 = arith.constant 0 : index
    %get3A_44 = arith.constant 0 : index
    %get3A_45 = vector.load %arg10[%get3A_43, %get3A_44] : memref<128x128xf32, #tpu.memory_space<vmem>>, vector<128x128xf32>
    %dot_general3A_46 = arith.constant dense<0.000000e+00> : vector<2000x128xf32>
    %dot_general3A_47 = tpu.matmul %max3A_42, %get3A_45, %dot_general3A_46 {dimension_numbers = #tpu.dot_dimension_numbers<[1], [1], [0], [0], [0, 0, 1, 0], [], []>, transpose_lhs_hint = false} : vector<2000x128xf32>, vector<128x128xf32>, vector<2000x128xf32> -> vector<2000x128xf32>
    %get3A_48 = arith.constant 0 : index
    %get3A_49 = arith.constant 0 : index
    %get3A_50 = vector.load %arg11[%get3A_48, %get3A_49] : memref<1x128xf32, #tpu.memory_space<vmem>>, vector<1x128xf32>
    %add3A_51 = vector.broadcast %get3A_50 : vector<1x128xf32> to vector<2000x128xf32>
    %add3A_52 = arith.addf %dot_general3A_47, %add3A_51 : vector<2000x128xf32>
    %max3A_53 = arith.constant 0.000000e+00 : f32
    %max3A_54 = vector.broadcast %max3A_53 : f32 to vector<2000x128xf32>
    %max3A_55 = arith.maximumf %add3A_52, %max3A_54 : vector<2000x128xf32>
    %get3A_56 = arith.constant 0 : index
    %get3A_57 = arith.constant 0 : index
    %get3A_58 = vector.load %arg12[%get3A_56, %get3A_57] : memref<128x128xf32, #tpu.memory_space<vmem>>, vector<128x128xf32>
    %dot_general3A_59 = arith.constant dense<0.000000e+00> : vector<2000x128xf32>
    %dot_general3A_60 = tpu.matmul %max3A_55, %get3A_58, %dot_general3A_59 {dimension_numbers = #tpu.dot_dimension_numbers<[1], [1], [0], [0], [0, 0, 1, 0], [], []>, transpose_lhs_hint = false} : vector<2000x128xf32>, vector<128x128xf32>, vector<2000x128xf32> -> vector<2000x128xf32>
    %get3A_61 = arith.constant 0 : index
    %get3A_62 = arith.constant 0 : index
    %get3A_63 = vector.load %arg13[%get3A_61, %get3A_62] : memref<1x128xf32, #tpu.memory_space<vmem>>, vector<1x128xf32>
    %add3A_64 = vector.broadcast %get3A_63 : vector<1x128xf32> to vector<2000x128xf32>
    %add3A_65 = arith.addf %dot_general3A_60, %add3A_64 : vector<2000x128xf32>
    %swap3A = arith.constant 0 : index
    %swap3A_66 = arith.constant 0 : index
    %swap3A_67 = vector.load %arg14[%swap3A, %swap3A_66] : memref<2000x128xf32, #tpu.memory_space<vmem>>, vector<2000x128xf32>
    tpu.vector_store %arg14[%swap3A, %swap3A_66], %add3A_65 {strides = array<i32>} : memref<2000x128xf32, #tpu.memory_space<vmem>>, vector<2000x128xf32>,
    return
  }
  func.func @transform_0(%arg0: i32) -> (i32, i32) {
    %c0_i32 = arith.constant 0 : i32
    %c0_i32_0 = arith.constant 0 : i32
    return %arg0, %c0_i32 : i32, i32
  }
  func.func @transform_1(%arg0: i32) -> (i32, i32) {
    %c0_i32 = arith.constant 0 : i32
    %c0_i32_0 = arith.constant 0 : i32
    return %arg0, %c0_i32 : i32, i32
  }
  func.func @transform_2(%arg0: i32) -> (i32, i32) {
    %add3A = arith.constant 5 : i32
    %add3A_0 = arith.addi %arg0, %add3A : i32
    %c0_i32 = arith.constant 0 : i32
    %c0_i32_1 = arith.constant 0 : i32
    return %add3A_0, %c0_i32 : i32, i32
  }
  func.func @transform_3(%arg0: i32) -> (i32, i32) {
    %c0_i32 = arith.constant 0 : i32
    %c0_i32_0 = arith.constant 0 : i32
    return %arg0, %c0_i32 : i32, i32
  }
  func.func @transform_4(%arg0: i32) -> (i32, i32) {
    %add3A = arith.constant 5 : i32
    %add3A_0 = arith.addi %arg0, %add3A : i32
    %c0_i32 = arith.constant 0 : i32
    %c0_i32_1 = arith.constant 0 : i32
    return %add3A_0, %c0_i32 : i32, i32
  }
  func.func @transform_5(%arg0: i32) -> (i32, i32) {
    %c0_i32 = arith.constant 0 : i32
    %c0_i32_0 = arith.constant 0 : i32
    %c0_i32_1 = arith.constant 0 : i32
    return %c0_i32, %c0_i32_0 : i32, i32
  }
  func.func @transform_6(%arg0: i32) -> (i32, i32) {
    %c0_i32 = arith.constant 0 : i32
    %c0_i32_0 = arith.constant 0 : i32
    %c0_i32_1 = arith.constant 0 : i32
    return %c0_i32, %c0_i32_0 : i32, i32
  }
  func.func @transform_7(%arg0: i32) -> (i32, i32) {
    %c0_i32 = arith.constant 0 : i32
    %c0_i32_0 = arith.constant 0 : i32
    %c0_i32_1 = arith.constant 0 : i32
    return %c0_i32, %c0_i32_0 : i32, i32
  }
  func.func @transform_8(%arg0: i32) -> (i32, i32) {
    %c0_i32 = arith.constant 0 : i32
    %c0_i32_0 = arith.constant 0 : i32
    %c0_i32_1 = arith.constant 0 : i32
    return %c0_i32, %c0_i32_0 : i32, i32
  }
  func.func @transform_9(%arg0: i32) -> (i32, i32) {
    %c0_i32 = arith.constant 0 : i32
    %c0_i32_0 = arith.constant 0 : i32
    %c0_i32_1 = arith.constant 0 : i32
    return %c0_i32, %c0_i32_0 : i32, i32
  }
  func.func @transform_10(%arg0: i32) -> (i32, i32) {
    %c0_i32 = arith.constant 0 : i32
    %c0_i32_0 = arith.constant 0 : i32
    %c0_i32_1 = arith.constant 0 : i32
    return %c0_i32, %c0_i32_0 : i32, i32
  }
  func.func @transform_11(%arg0: i32) -> (i32, i32) {
    %c0_i32 = arith.constant 0 : i32
    %c0_i32_0 = arith.constant 0 : i32
    %c0_i32_1 = arith.constant 0 : i32
    return %c0_i32, %c0_i32_0 : i32, i32
  }
  func.func @transform_12(%arg0: i32) -> (i32, i32) {
    %c0_i32 = arith.constant 0 : i32
    %c0_i32_0 = arith.constant 0 : i32
    %c0_i32_1 = arith.constant 0 : i32
    return %c0_i32, %c0_i32_0 : i32, i32
  }
  func.func @transform_13(%arg0: i32) -> (i32, i32) {
    %c0_i32 = arith.constant 0 : i32
    %c0_i32_0 = arith.constant 0 : i32
    return %arg0, %c0_i32 : i32, i32
  }
}

</mosaic_0001>

<sc_bundles>
// kernel: kernel.4.cloned.1.call-start
scs
__scs_entry_jumppad:
0x0: {  	(pc) =	sbr.rel $0x88, $3  }
0x1: {  	(tag) =	ssettag $0x0;
	lr =	simm.s32 $0x1  }
0x2: {  	[smem:$0x3F97] =	sst lr;
	_ =	strace $0xD0000000  }
0x3: {  	_ = 	snop  }
0x4: {  	_ = 	snop  }
0x5: {  	_ = 	snop  }
0x6: {  	_ = 	snop  }
0x7: {  	_ = 	snop  }
__scs_overlays_trampoline_lowered:
0x8: {  	[smem:$0x3FA6] =	sst s0  }
0x9: {  	[smem:$0x3FA7] =	sst s1  }
0xa: {  	[smem:$0x3FA8] =	sst s2  }
0xb: {  	[smem:$0x3FA9] =	sst s3  }
0xc: {  	[smem:$0x3FAA] =	sst s4  }
0xd: {  	[smem:$0x3FAB] =	sst s5  }
0xe: {  	[smem:$0x3FAC] =	sst s6  }
0xf: {  	[smem:$0x3FAD] =	sst s7  }
0x10: {  	[smem:$0x3FAE] =	sst s8  }
0x11: {  	[smem:$0x3FAF] =	sst s9;
	s0 =	simm.s32 @!p0 $0x0  }
0x12: {  	s1 =	sld [smem:$0x3F95];
	s0 =	simm.s32 @p0 $0x1  }
0x13: {  	[smem:$0x3FB0] =	sst s0;
	s0 =	simm.s32 @!p1 $0x0  }
0x14: {  	s2 =	sld [smem:$0x3F94];
	s0 =	simm.s32 @p1 $0x1  }
0x15: {  	[smem:$0x3FB1] =	sst s0;
	s0 =	simm.s32 @!p2 $0x0  }
0x16: {  	s3 =	sld [smem:$0x3FDB];
	s0 =	simm.s32 @p2 $0x1  }
0x17: {  	s4 =	simm.s32 $0x1BF5;
	[smem:$0x3FB3] =	sst s0  }
0x18: {  	s0 =	sld [smem:$0x3F96];
	_ =	swait.ge [sflag:s4], $0x0  }
0x19: {  	s7 =	sld [smem:$0x3F97]  }
0x1a: {  	s8 =	sadd.s32 $0xFFFFE003, lr  }
0x1b: {  	s9 =	sadd.s32 $0xFFFFFEF7, lr;
	s5 =	simm.s32 $0xFFFFFFFF;
	p2 =	slt.u32 s8, $0xFFFFF086  }
0x1c: {  	p1 =	slt.u32 s9, $0xF7A;
	s5 =	simm.s32 @!p2 $0x0  }
0x1d: {  	s5 =	simm.s32 @p1 $0x1;
	p0 =	seq.s32 s7, s2  }
0x1e: {  	s7 =	smul.u32 @!p0 $0xF7A, s2;
	p2 =	seq.s32 @!p0 s5, $0x0  }
0x1f: {  	s9 =	smul.u32 $0xF7A, s1;
	s8 =	simm.s32 @!p0 $0x1BF5;
	p2 =	por !p2, p0  }
0x20: {  	[sflag:s8] =	ssyncset.s32 @!p0 $0xFFFFF086;
	s6 =	sadd.s32 @!p0 s3, s7;
	s7 =	simm.s32 @!p0 $0x108  }
0x21: {  	s3 =	sadd.s32 s3, s9;
	s6 =	sadd.s32 @!p0 $0x88, s6;
	s7 =	simm.s32 @p2 $0x1082  }
0x22: {  	[simem:s7], [sflag:s8] =	dma.local @!p0 [hbm:s6], $0xF7A  }
0x23: {  	s9 =	sor.u32 $0xD0000000, s2;
	s6 =	simm.s32 $0x108;
	_ =	swait.ge @!p0 [sflag:s8], $0x0  }
0x24: {  	s3 =	sadd.s32 $0x88, s3;
	s6 =	simm.s32 @!p1 $0x1082;
	[sflag:s4] =	ssyncset.s32 $0xFFFFF086  }
0x25: {  	[simem:s6], [sflag:s4] =	dma.local [hbm:s3], $0xF7A  }
0x26: {  	[smem:$0x3F97] =	sst s1;
	(tag) =	ssettag s2;
	_ =	strace s9  }
0x27: {  	s1 =	sld [smem:$0x3FA7]  }
0x28: {  	s2 =	sld [smem:$0x3FA8]  }
0x29: {  	s4 =	sld [smem:$0x3FAA]  }
0x2a: {  	p0 =	seq.s32 s5, $0x0;
	s5 =	sld [smem:$0x3FAB]  }
0x2b: {  	s6 =	sld [smem:$0x3FAC]  }
0x2c: {  	s7 =	sld [smem:$0x3FAD]  }
0x2d: {  	s3 =	simm.s32 $0x108;
	s8 =	sld [smem:$0x3FAE]  }
0x2e: {  	s3 =	simm.s32 @!p0 $0x1082;
	s9 =	sld [smem:$0x3FAF]  }
0x2f: {  	lr =	sadd.s32 s0, s3;
	s0 =	sld [smem:$0x3FA6]  }
0x30: {  	s3 =	sld [smem:$0x3FA9]  }
0x31: {  	[smem:$0x3FB2] =	sst s10  }
0x32: {  	s10 =	sld [smem:$0x3FB0];
	_ =	sdelay $0x3  }
0x33: {  	p0 =	seq.s32 s10, $0x1;
	s10 =	sld [smem:$0x3FB2];
	_ =	sdelay $0x3  }
0x34: {  	[smem:$0x3FB2] =	sst s10  }
0x35: {  	s10 =	sld [smem:$0x3FB1];
	_ =	sdelay $0x3  }
0x36: {  	p1 =	seq.s32 s10, $0x1;
	s10 =	sld [smem:$0x3FB2];
	_ =	sdelay $0x3  }
0x37: {  	[smem:$0x3FB2] =	sst s10  }
0x38: {  	s10 =	sld [smem:$0x3FB3]  }
0x39: {  	_ = 	snop;
	(pc) =	sbr.ind lr, $3  }
0x3a: {  	_ = 	snop  }
0x3b: {  	_ = 	snop  }
0x3c: {  	p2 =	seq.s32 s10, $0x1;
	s10 =	sld [smem:$0x3FB2]  }
0x3d: {  	_ =	shalt  }
0x3e: {  	_ =	shalt  }
0x3f: {  	_ =	shalt  }
0x40: {  	_ =	shalt  }
0x41: {  	_ =	shalt  }
0x42: {  	_ =	shalt  }
0x43: {  	_ =	shalt  }
0x44: {  	_ =	shalt  }
0x45: {  	_ =	shalt  }
0x46: {  	_ =	shalt  }
0x47: {  	_ =	shalt  }
0x48: {  	_ =	shalt  }
0x49: {  	_ =	shalt  }
0x4a: {  	_ =	shalt  }
0x4b: {  	_ =	shalt  }
0x4c: {  	_ =	shalt  }
0x4d: {  	_ =	shalt  }
0x4e: {  	_ =	shalt  }
0x4f: {  	_ =	shalt  }
0x50: {  	_ =	shalt  }
0x51: {  	_ =	shalt  }
0x52: {  	_ =	shalt  }
0x53: {  	_ =	shalt  }
0x54: {  	_ =	shalt  }
0x55: {  	_ =	shalt  }
0x56: {  	_ =	shalt  }
0x57: {  	_ =	shalt  }
0x58: {  	_ =	shalt  }
0x59: {  	_ =	shalt  }
0x5a: {  	_ =	shalt  }
0x5b: {  	_ =	shalt  }
0x5c: {  	_ =	shalt  }
0x5d: {  	_ =	shalt  }
0x5e: {  	_ =	shalt  }
0x5f: {  	_ =	shalt  }
0x60: {  	_ =	shalt  }
0x61: {  	_ =	shalt  }
0x62: {  	_ =	shalt  }
0x63: {  	_ =	shalt  }
0x64: {  	_ =	shalt  }
0x65: {  	_ =	shalt  }
0x66: {  	_ =	shalt  }
0x67: {  	_ =	shalt  }
0x68: {  	_ =	shalt  }
0x69: {  	_ =	shalt  }
0x6a: {  	_ =	shalt  }
0x6b: {  	_ =	shalt  }
0x6c: {  	_ =	shalt  }
0x6d: {  	_ =	shalt  }
0x6e: {  	_ =	shalt  }
0x6f: {  	_ =	shalt  }
0x70: {  	_ =	shalt  }
0x71: {  	_ =	shalt  }
0x72: {  	_ =	shalt  }
0x73: {  	_ =	shalt  }
0x74: {  	_ =	shalt  }
0x75: {  	_ =	shalt  }
0x76: {  	_ =	shalt  }
0x77: {  	_ =	shalt  }
0x78: {  	_ =	shalt  }
0x79: {  	_ =	shalt  }
0x7a: {  	_ =	shalt  }
0x7b: {  	_ =	shalt  }
0x7c: {  	_ =	shalt  }
0x7d: {  	_ =	shalt  }
0x7e: {  	_ =	shalt  }
0x7f: {  	_ =	shalt  }
0x80: {  	_ =	shalt  }
0x81: {  	_ =	shalt  }
0x82: {  	_ =	shalt  }
0x83: {  	_ =	shalt  }
0x84: {  	_ =	shalt  }
0x85: {  	_ =	shalt  }
0x86: {  	_ =	shalt  }
0x87: {  	_ =	shalt  }
.Lfunc_end0:
.L_simem_size_0:
called_computation_lowered:
.L_overlay_start_0:
0x88: {  	s2 =	sld [smem:$0x3FD9]  }
0x89: {  	s3 =	sld [smem:$0x3FFE];
	_ =	sdelay $0x1  }
0x8a: {  	s1 =	srdreg.scid  }
0x8b: {  	s0 =	sand.u32 $0x1, s1  }
0x8c: {  	s17 =	sshll.u32 s0, $0xA;
	s2 =	sadd.s32 s3, s2  }
0x8d: {  	s2 =	sadd.s32 s2, s17  }
0x8e: {  	[smem:$0x3FBE] =	sst s2  }
0x8f: {  	_ = 	snop  }
0x90: {  	s2 =	sld [smem:$0x3FC9]  }
0x91: {  	s18 =	sld [smem:$0x3FD0];
	(tm) =	ssettm $0x1  }
0x92: {  	s4 =	sld [smem:$0x3FFB];
	_ =	sdelay $0x3  }
0x93: {  	_ =	strace s4  }
0x94: {  	s4 =	sld [smem:$0x3FFC];
	_ =	sdelay $0x3  }
0x95: {  	_ =	strace s4  }
0x96: {  	s4 =	sld [smem:$0x3FFD];
	_ =	sdelay $0x3  }
0x97: {  	_ =	strace s4  }
0x98: {  	_ =	strace $0x8FFFFFFF  }
0x99: {  	s19 =	sld [smem:$0x3FDB];
	_ =	sdelay $0x1  }
0x9a: {  	s5 =	simm.s32 $_scs_section_size  }
0x9b: {  	s6 =	simm.s32 $_size__tile_overlayer_lowered;
	s7 =	simm.s32 $_tile_overlayer_lowered  }
0x9c: {  	s22 =	simm.s32 $0x1BFF;
	s21 =	sshll.u32 s7, $0x1;
	s4 =	sadd.s32 s5, s19  }
0x9d: {  	s8 =	simm.s32 $0x0;
	s20 =	sshll.u32 s6, $0x1;
	s6 =	sadd.s32 s21, s4  }
0x9e: {  	[timem:s8], [sflag:s22] =	dma.local [hbm:s6], s20  }
0x9f: {  	_ =	swait.ge [sflag:s22], s20  }
0xa0: {  	s5 =	ssub.s32 $0x0, s20;
	[sflag:s22] =	ssyncset.done $0x0  }
0xa1: {  	[sflag:s22] =	ssyncadd.s32 s5;
	_ =	sdelay $0x1  }
0xa2: {  	s23 =	simm.s32 $0x1B8B  }
0xa3: {  	_ =	swait.ge [sflag:s23], $0x1  }
0xa4: {  	[sflag:s23] =	ssyncset.done $0x0  }
0xa5: {  	s25 =	simm.s32 $0x1B8E;
	s24 =	sld [smem:$0x3FFE];
	[sflag:s23] =	ssyncadd.s32 $0xFFFFFFFF  }
0xa6: {  	s26 =	simm.s32 $execute0_lowered;
	[smem:$0x3FD2] =	sst s25  }
0xa7: {  	s6 =	sshll.u32 s26, $0x1;
	_ =	strace $0x80000046;
	[dreg:$0x1] =	wrdreg $0xFFFFFFFF  }
0xa8: {  	s28 =	simm.s32 $_size_execute0_lowered;
	s4 =	sadd.s32 s4, s6;
	[dreg:$0x0] =	wrdreg $0x0  }
0xa9: {  	s6 =	sshll.u32 s28, $0x1;
	[dreg:$0x2] =	wrdreg s4  }
0xaa: {  	[dreg:$0x3] =	wrdreg s6  }
0xab: {  	[dreg:$0x4] =	wrdreg $0xC0  }
0xac: {  	_ =	task [dreg:s8], $0x5FFFF  }
0xad: {  	[dreg:$0x1] =	wrdreg $0xFFFFFFFF  }
0xae: {  	[dreg:$0x0] =	wrdreg $0x60  }
0xaf: {  	[dreg:$0x2] =	wrdreg s2  }
0xb0: {  	[dreg:$0x3] =	wrdreg s18  }
0xb1: {  	[dreg:$0x4] =	wrdreg s24  }
0xb2: {  	[dreg:$0x5] =	wrdreg $0x80200  }
0xb3: {  	[dreg:$0x6] =	wrdreg $0x1B8A00  }
0xb4: {  	[dreg:$0x7] =	wrdreg $0x9  }
0xb5: {  	_ =	task.clear_ibuf [dreg:s8], $0x8FFFF;
	_ =	strace $0x90000046  }
0xb6: {  	s29 =	simm.s32 $0x9;
	_ =	strace $0x80000048  }
0xb7: {  	_ =	swait.ge [sflag:s29], $0x1  }
0xb8: {  	[sflag:s29] =	ssyncadd.s32 $0xFFFFFFFF  }
0xb9: {  	_ =	strace $0x90000048  }
0xba: {  	_ =	sfence  }
0xbb: {  	s30 =	sld [smem:$0x0];
	_ =	sdelay $0x2  }
0xbc: {  	s31 =	sshll.u32 s1, $0xD;
	s1 =	sshrl.u32 s1, $0x2  }
0xbd: {  	s3 =	sand.u32 $0x4000, s31;
	s1 =	sadd.s32 s1, s30  }
0xbe: {  	s0 =	sor.u32 s3, s0;
	s1 =	sshll.u32 s1, $0x11  }
0xbf: {  	s0 =	sor.u32 s1, s0  }
0xc0: {  	s0 =	sadd.s32 $0x8F2B, s0  }
0xc1: {  	[sflag:s0] =	ssyncadd.remote.s32 $0x1  }
0xc2: {  	_ =	sfence.sel $0xFFFF  }
0xc3: {  	[dreg:$0x0] =	wrdreg $0xFFFFFFFF;
	(pc) =	sbr.abs _section_cstart, $3  }
0xc4: {  	[dreg:$0x1] =	wrdreg $0xFFFFFFFF  }
0xc5: {  	_ =	task.clear_ibuf [dreg:s8], $0x2FFFF;
	_ =	strace $0x9FFFFFFF  }
0xc6: {  	(tm) =	ssettm $0x7FFFFFFF  }
0xc7: {  	_ =	shalt  }
tec
execute0_lowered:
.L_overlay_start_1:
0x0: {  	(tag) =	ssettag $0x1  }
0x1: {  	s18 =	rddreg [dreg:$0x0]  }
0x2: {  	s11 =	rddreg [dreg:$0x1]  }
0x3: {  	s0 =	rddreg [dreg:$0x2]  }
0x4: {  	s3 =	rddreg [dreg:$0x3]  }
0x5: {  	s4 =	rddreg [dreg:$0x4]  }
0x6: {  	s2 =	simm.s32 $0x0;
	s22 =	srdreg.scid;
	s5 =	stileid.u32  }
0x7: {  	[smem:$0x7FF] =	sst s2;
	s2 =	sand.u32 $0x1, s22;
	s6 =	sshll.u32 s5, $0x1  }
0x8: {  	s7 =	sadd.s32 $0x2600, s0;
	s8 =	sadd.s32 $0x2200, s0;
	s17 =	smul.u32 $0x5000, s5  }
0x9: {  	s9 =	sadd.s32 $0x2400, s0;
	s20 =	smul.u32 $0xA00, s5;
	_ =	strace $0x80000047  }
0xa: {  	[dreg:$0x6] =	wrdreg s7;
	s23 =	smul.u32 $0x27100, s2;
	s6 =	sor.u32 s2, s6  }
0xb: {  	[dreg:$0x7] =	wrdreg s8;
	s24 =	ssub.s32 $0x2, s2;
	s2 =	smul.u32 $0x2710, s2  }
0xc: {  	s28 =	simm.s32 $0x12;
	[dreg:$0x8] =	wrdreg s9;
	s6 =	smul.u32 $0x2710, s6  }
0xd: {  	s25 =	sshrl.u32 s24, $0x1;
	s22 =	sshrl.u32 s17, $0x2;
	s0 =	sadd.s32 s23, s0  }
0xe: {  	s7 =	ssub.s32 s24, s25;
	s23 =	sshrl.u32 s20, $0x2;
	s26 =	sshrl.u32 s6, $0x3  }
0xf: {  	s1 =	sadd.s32 $0xC8, s6;
	s13 =	sadd.s32 $0x28, s6;
	s15 =	sadd.s32 $0x118, s6  }
0x10: {  	s19 =	sadd.s32 $0x78, s6;
	s6 =	sadd.s32 $0x168, s6;
	s21 =	smax.u32 s7, $0x1  }
0x11: {  	s29 =	sadd.s32 s23, s4;
	s4 =	smul.u32 $0x280, s5;
	s12 =	sadd.s32 s11, s26  }
0x12: {  	s10 =	sshrl.u32 s1, $0x3;
	s14 =	sshrl.u32 s13, $0x3;
	[dreg:$0xf] =	wrdreg s21  }
0x13: {  	s16 =	sshrl.u32 s15, $0x3;
	s6 =	sshrl.u32 s6, $0x3;
	[dreg:$0x11] =	wrdreg s29  }
0x14: {  	s26 =	sadd.s32 s22, s3;
	s8 =	sadd.s32 s11, s10;
	[dreg:$0x9] =	wrdreg s12  }
0x15: {  	s10 =	smul.u32 $0x4E20, s5;
	s6 =	sadd.s32 s11, s6;
	[dreg:$0x10] =	wrdreg s26  }
0x16: {  	s0 =	sadd.s32 s4, s0;
	s22 =	sadd.s32 $0x1E, s12;
	[dreg:$0xa] =	wrdreg s8  }
0x17: {  	s23 =	sadd.s32 $0xA, s12;
	s4 =	simm.s32 $0x6720;
	[dreg:$0xe] =	wrdreg s6  }
0x18: {  	s8 =	sadd.s32 s11, s14;
	s30 =	sadd.s32 $0x50C00, s0;
	[dreg:$0x1c] =	wrdreg s22  }
0x19: {  	s31 =	sadd.s32 $0x2A00, s0;
	[dreg:$0x1d] =	wrdreg s23;
	s22 =	simm.s32 $0x1E0  }
0x1a: {  	[dreg:$0xb] =	wrdreg s8;
	s8 =	sadd.s32 s11, s16;
	s2 =	sadd.s32 s2, s10  }
0x1b: {  	[dreg:$0xc] =	wrdreg s8;
	s8 =	sshrl.u32 s19, $0x3;
	s24 =	sadd.s32 $0x2F8, s2  }
0x1c: {  	s1 =	sadd.s32 $0x2D0, s2;
	s3 =	sadd.s32 $0x2A8, s2;
	s9 =	sadd.s32 $0x280, s2  }
0x1d: {  	s10 =	sadd.s32 $0x258, s2;
	s13 =	sadd.s32 $0x230, s2;
	s16 =	sadd.s32 $0x208, s2  }
0x1e: {  	s17 =	sadd.s32 $0x1E0, s2;
	s19 =	sadd.s32 $0x1B8, s2;
	s2 =	sadd.s32 $0x190, s2  }
0x1f: {  	s8 =	sadd.s32 s11, s8;
	s25 =	sshrl.u32 s24, $0x3;
	s7 =	sshrl.u32 s3, $0x3  }
0x20: {  	[dreg:$0x1b] =	wrdreg s2;
	s24 =	sadd.s32 $0x28, s12;
	s3 =	simm.s32 $0x280  }
0x21: {  	[dreg:$0xd] =	wrdreg s8;
	s6 =	sadd.s32 s25, s11;
	s7 =	sadd.s32 s7, s11  }
0x22: {  	s8 =	sshrl.u32 s13, $0x3;
	[dreg:$0x1e] =	wrdreg s24;
	s25 =	sadd.s32 $0x14, s12  }
0x23: {  	s13 =	simm.s32 $0x190;
	s24 =	simm.s32 $0x3F20;
	[dreg:$0x12] =	wrdreg s6  }
0x24: {  	s12 =	simm.s32 $0x5320;
	s6 =	sshrl.u32 s1, $0x3;
	[dreg:$0x14] =	wrdreg s7  }
0x25: {  	s7 =	sshrl.u32 s10, $0x3;
	s15 =	sadd.s32 s8, s11;
	s8 =	sshrl.u32 s19, $0x3  }
0x26: {  	[dreg:$0x1f] =	wrdreg s25;
	s25 =	simm.s32 $0x10;
	s1 =	simm.s32 $0x0  }
0x27: {  	s6 =	sadd.s32 s6, s11;
	s14 =	sadd.s32 s7, s11;
	[dreg:$0x17] =	wrdreg s15  }
0x28: {  	s7 =	sshrl.u32 s17, $0x3;
	s21 =	sadd.s32 s8, s11;
	[dreg:$0x13] =	wrdreg s6  }
0x29: {  	s8 =	simm.s32 $0x2D0;
	s6 =	sshrl.u32 s9, $0x3;
	[dreg:$0x16] =	wrdreg s14  }
0x2a: {  	s20 =	sadd.s32 s7, s11;
	[dreg:$0x1a] =	wrdreg s21;
	s6 =	sadd.s32 s6, s11  }
0x2b: {  	s21 =	simm.s32 $0x230;
	[dreg:$0x15] =	wrdreg s6;
	s6 =	sshrl.u32 s16, $0x3  }
0x2c: {  	s14 =	simm.s32 $0x14;
	[dreg:$0x19] =	wrdreg s20;
	s6 =	sadd.s32 s6, s11  }
0x2d: {  	s20 =	simm.s32 $0x5320;
	s11 =	simm.s32 $0x28;
	[dreg:$0x18] =	wrdreg s6  }
.LBB2_1:
0x2e: {  	[smem:$0x7FD] =	sst s1  }
0x2f: {  	s0 =	simm.s32 $0x0;
	s2 =	rddreg [dreg:$0x9];
	s7 =	simm.s32 $0x4E200  }
0x30: {  	[tilespmem:s0], [sflag:$0x1] =	stream.strided.gather [hbm4b:s2+s11], $0x50, s7, s11, $0x38;
	[tilespmem:$0x1DFB0] =	vst v63  }
0x31: {  	s17 =	rddreg [dreg:$0xa]  }
0x32: {  	[tilespmem:s13], [sflag:$0x6] =	stream.strided.gather [hbm4b:s17+s11], $0x50, s7, s11, $0x38;
	[tilespmem:$0x1DFB0] =	vst v63  }
0x33: {  	s19 =	rddreg [dreg:$0xb];
	s9 =	simm.s32 $0x50  }
0x34: {  	[tilespmem:s9], [sflag:$0x2] =	stream.strided.gather [hbm4b:s19+s11], $0x50, s7, s11, $0x38;
	[tilespmem:$0x1DFB0] =	vst v63  }
0x35: {  	s23 =	rddreg [dreg:$0x1c]  }
0x36: {  	[tilespmem:s22], [sflag:$0x7] =	stream.strided.gather [hbm4b:s23+s11], $0x50, s7, s11, $0x38;
	[tilespmem:$0x1DFB0] =	vst v63  }
0x37: {  	s1 =	rddreg [dreg:$0x1d];
	s6 =	simm.s32 $0xA0  }
0x38: {  	[tilespmem:s6], [sflag:$0x3] =	stream.strided.gather [hbm4b:s1+s11], $0x50, s7, s11, $0x38;
	[tilespmem:$0x1DFB0] =	vst v63  }
0x39: {  	s6 =	rddreg [dreg:$0xc]  }
0x3a: {  	[tilespmem:s21], [sflag:$0x8] =	stream.strided.gather [hbm4b:s6+s11], $0x50, s7, s11, $0x38;
	[tilespmem:$0x1DFB0] =	vst v63  }
0x3b: {  	s10 =	simm.s32 $0xF0;
	s9 =	rddreg [dreg:$0xd]  }
0x3c: {  	[tilespmem:s10], [sflag:$0x4] =	stream.strided.gather [hbm4b:s9+s11], $0x50, s7, s11, $0x38;
	[tilespmem:$0x1DFB0] =	vst v63  }
0x3d: {  	s13 =	rddreg [dreg:$0x1e]  }
0x3e: {  	[tilespmem:s3], [sflag:$0x9] =	stream.strided.gather [hbm4b:s13+s11], $0x50, s7, s11, $0x38;
	[tilespmem:$0x1DFB0] =	vst v63  }
0x3f: {  	s15 =	rddreg [dreg:$0x1f];
	s16 =	simm.s32 $0x140  }
0x40: {  	[tilespmem:s16], [sflag:$0x5] =	stream.strided.gather [hbm4b:s15+s11], $0x50, s7, s11, $0x38;
	[tilespmem:$0x1DFB0] =	vst v63  }
0x41: {  	s17 =	rddreg [dreg:$0xe]  }
0x42: {  	[tilespmem:s8], [sflag:$0xA] =	stream.strided.gather [hbm4b:s17+s11], $0x50, s7, s11, $0x38;
	[tilespmem:$0x1DFB0] =	vst v63  }
0x43: {  	s19 =	rddreg [dreg:$0x6];
	s22 =	simm.s32 $0x15;
	s21 =	simm.s32 $0x69A0  }
0x44: {  	[tilespmem:s21], [sflag:$0x15] =	stream.linear.gather [hbm4b:s19+s0], $0x1400, $0x38;
	[tilespmem:$0x1DFB0] =	vst v63  }
0x45: {  	_ =	swait.ge [sflag:s22], $0x1400  }
0x46: {  	[sflag:s22] =	ssyncset.done $0x0  }
0x47: {  	s1 =	simm.s32 $0x7DA0;
	s23 =	rddreg [dreg:$0x7];
	[sflag:s22] =	ssyncadd.s32 $0xFFFFEC00  }
0x48: {  	[tilespmem:s1], [sflag:$0x15] =	stream.linear.gather [hbm4b:s23+s0], $0x280, $0x38;
	[tilespmem:$0x1DFB0] =	vst v63  }
0x49: {  	_ =	swait.ge [sflag:s22], $0x280  }
0x4a: {  	[sflag:s22] =	ssyncset.done $0x0  }
0x4b: {  	s3 =	rddreg [dreg:$0x8];
	[sflag:s22] =	ssyncadd.s32 $0xFFFFFD80  }
0x4c: {  	[tilespmem:s4], [sflag:$0x15] =	stream.linear.gather [hbm4b:s3+s0], $0x280, $0x38;
	[tilespmem:$0x1DFB0] =	vst v63  }
0x4d: {  	_ =	swait.ge [sflag:s22], $0x280  }
0x4e: {  	[sflag:s22] =	ssyncset.done $0x0  }
0x4f: {  	s6 =	simm.s32 $0x1;
	[sflag:s22] =	ssyncadd.s32 $0xFFFFFD80  }
0x50: {  	_ =	swait.ge [sflag:s6], $0x50  }
0x51: {  	[sflag:s6] =	ssyncset.done $0x0  }
0x52: {  	s7 =	simm.s32 $0x320;
	s8 =	simm.s32 $0x2;
	[sflag:s6] =	ssyncadd.s32 $0xFFFFFFB0  }
0x53: {  	[tilespmem:s7], [sflag:$0xB] =	stream.indirect.gather [hbm4b:s18+s11], $0x80, s11, s11, $0xb8;
	[tilespmem:$0x1DFB0] =	vst v63  }
0x54: {  	_ =	swait.ge [sflag:s8], $0x50  }
0x55: {  	s9 =	simm.s32 $0x78;
	[sflag:s8] =	ssyncset.done $0x0  }
0x56: {  	s10 =	simm.s32 $0x1720;
	s13 =	simm.s32 $0x3;
	[sflag:s8] =	ssyncadd.s32 $0xFFFFFFB0  }
0x57: {  	[tilespmem:s10], [sflag:$0xC] =	stream.indirect.gather [hbm4b:s18+s11], $0x80, s9, s11, $0xb8;
	[tilespmem:$0x1DFB0] =	vst v63  }
0x58: {  	_ =	swait.ge [sflag:s13], $0x50  }
0x59: {  	s15 =	simm.s32 $0xC8;
	[sflag:s13] =	ssyncset.done $0x0  }
0x5a: {  	s16 =	simm.s32 $0x2B20;
	s17 =	simm.s32 $0x4;
	[sflag:s13] =	ssyncadd.s32 $0xFFFFFFB0  }
0x5b: {  	[tilespmem:s16], [sflag:$0xD] =	stream.indirect.gather [hbm4b:s18+s11], $0x80, s15, s11, $0xb8;
	[tilespmem:$0x1DFB0] =	vst v63  }
0x5c: {  	_ =	swait.ge [sflag:s17], $0x50  }
0x5d: {  	[sflag:s17] =	ssyncset.done $0x0  }
0x5e: {  	s19 =	simm.s32 $0x118;
	s21 =	simm.s32 $0x5;
	[sflag:s17] =	ssyncadd.s32 $0xFFFFFFB0  }
0x5f: {  	[tilespmem:s24], [sflag:$0xE] =	stream.indirect.gather [hbm4b:s18+s11], $0x80, s19, s11, $0xb8;
	[tilespmem:$0x1DFB0] =	vst v63  }
0x60: {  	_ =	swait.ge [sflag:s21], $0x50  }
0x61: {  	s23 =	sadd.s32 $0x0, s5;
	[sflag:s21] =	ssyncset.done $0x0  }
0x62: {  	p0 =	sgt.u32 s23, $0xF9;
	s22 =	simm.s32 $0x168;
	[sflag:s21] =	ssyncadd.s32 $0xFFFFFFB0  }
0x63: {  	[tilespmem:s12], [sflag:$0xF] =	stream.indirect.gather [hbm4b:s18+s11], $0x80, s22, s11, $0xb8;
	[tilespmem:$0x1DFB0] =	vst v63  }
0x64: {  	s0 =	simm.s32 @!p0 $0x69A0;
	s7 =	simm.s32 @!p0 $0x16;
	p0 =	por p0, p0  }
0x65: {  	[spmem:s26] =	stream.linear.scatter @!p0 [tilespmem:s0], [sflag:$0x16], $0x1400, $0x38;
	[tilespmem:$0x1DFB0] =	vst v63  }
0x66: {  	_ =	swait.ge @!p0 [sflag:s7], $0x1400  }
0x67: {  	s8 =	simm.s32 @!p0 $0x15;
	[sflag:s7] =	ssyncset.done @!p0 $0x0  }
0x68: {  	s24 =	sadd.s32 $0x10, s5;
	s0 =	simm.s32 @!p0 $0x7DA0;
	[sflag:s7] =	ssyncadd.s32 @!p0 $0xFFFFEC00  }
0x69: {  	[spmem:s29] =	stream.linear.scatter @!p0 [tilespmem:s0], [sflag:$0x15], $0x280, $0x38;
	[tilespmem:$0x1DFB0] =	vst v63  }
0x6a: {  	s2 =	simm.s32 $0x20;
	p1 =	sgt.u32 s24, $0xF9;
	_ =	swait.ge @!p0 [sflag:s8], $0x280  }
0x6b: {  	s7 =	sadd.s32 $0x14000, s26;
	s0 =	sadd.s32 $0x2800, s29;
	[sflag:s8] =	ssyncset.done @!p0 $0x0  }
.LBB2_2:
0x6c: {  	s9 =	simm.s32 @!p1 $0x69A0;
	s10 =	simm.s32 @!p1 $0x16;
	[sflag:s8] =	ssyncadd.s32 @!p0 $0xFFFFFD80  }
0x6d: {  	s16 =	smov.u32 s2;
	p0 =	por p1, p1;
	s2 =	sadd.s32 $0x10, s2  }
0x6e: {  	[spmem:s7] =	stream.linear.scatter @!p0 [tilespmem:s9], [sflag:$0x16], $0x1400, $0x38;
	[tilespmem:$0x1DFB0] =	vst v63  }
0x6f: {  	p2 =	sne.s32 s2, $0x100;
	_ =	swait.ge @!p0 [sflag:s10], $0x1400  }
.Ltmp0:
0x70: {  	[sflag:s10] =	ssyncset.done @!p0 $0x0;
	(pc) =	sbr.rel @p2 .LBB2_2-.Ltmp0, $4  }
0x71: {  	s9 =	simm.s32 @!p0 $0x7DA0;
	s8 =	simm.s32 @!p0 $0x15;
	[sflag:s10] =	ssyncadd.s32 @!p0 $0xFFFFEC00  }
0x72: {  	[spmem:s0] =	stream.linear.scatter @!p0 [tilespmem:s9], [sflag:$0x15], $0x280, $0x38;
	[tilespmem:$0x1DFB0] =	vst v63  }
0x73: {  	s9 =	sadd.s32 s16, s5;
	s0 =	sadd.s32 $0x2800, s0;
	_ =	swait.ge @!p0 [sflag:s8], $0x280  }
0x74: {  	s7 =	sadd.s32 $0x14000, s7;
	p1 =	sgt.u32 s9, $0xF9;
	[sflag:s8] =	ssyncset.done @!p0 $0x0  }
0x75: {  	s2 =	simm.s32 @!p1 $0x69A0  }
0x76: {  	s9 =	simm.s32 @!p1 $0x16;
	[sflag:s8] =	ssyncadd.s32 @!p0 $0xFFFFFD80;
	p0 =	por p1, p1  }
0x77: {  	[spmem:s7] =	stream.linear.scatter @!p0 [tilespmem:s2], [sflag:$0x16], $0x1400, $0x38;
	[tilespmem:$0x1DFB0] =	vst v63  }
0x78: {  	_ =	swait.ge @!p0 [sflag:s9], $0x1400  }
0x79: {  	[sflag:s9] =	ssyncset.done @!p0 $0x0  }
0x7a: {  	s2 =	simm.s32 @!p0 $0x7DA0;
	s7 =	simm.s32 @!p0 $0x15;
	[sflag:s9] =	ssyncadd.s32 @!p0 $0xFFFFEC00  }
0x7b: {  	[spmem:s0] =	stream.linear.scatter @!p0 [tilespmem:s2], [sflag:$0x15], $0x280, $0x38;
	[tilespmem:$0x1DFB0] =	vst v63  }
0x7c: {  	_ =	swait.ge @!p0 [sflag:s7], $0x280  }
0x7d: {  	[sflag:s7] =	ssyncset.done @!p0 $0x0  }
0x7e: {  	[sflag:s7] =	ssyncadd.s32 @!p0 $0xFFFFFD80  }
0x7f: {  	[bflag:$0x0] =	sbarrier.arrive $0xFFFF  }
0x80: {  	s16 =	simm.s32 $0x0;
	s8 =	rddreg [dreg:$0x1b]  }
.LBB2_4:
0x81: {  	s13 =	simm.s32 $0xB  }
0x82: {  	_ =	swait.ge [sflag:s13], $0x1400  }
0x83: {  	[sflag:s13] =	ssyncset.done $0x0  }
0x84: {  	[sflag:s13] =	ssyncadd.s32 $0xFFFFEC00  }
0x85: {  	s2 =	simm.s32 $0x0;
	s0 =	simm.s32 $0x320;
	s4 =	rddreg [dreg:$0x3]  }
0x86: {  	[spmem:s4] =	stream.indirect.scatter.add.f32 [tilespmem:s0], [sflag:$0x10], $0x80, s2, s11, $0xb8;
	[tilespmem:$0x1DFB0] =	vst v63  }
0x87: {  	s1 =	simm.s32 $0x6720;
	s22 =	simm.s32 $0xC;
	s17 =	rddreg [dreg:$0x4]  }
0x88: {  	[spmem:s17] =	stream.indirect.scatter.add.f32 [tilespmem:s1], [sflag:$0x10], $0x10, s2, s11, $0xb8;
	[tilespmem:$0x1DFB0] =	vst v63  }
0x89: {  	_ =	swait.ge [sflag:s22], $0x1400  }
0x8a: {  	[sflag:s22] =	ssyncset.done $0x0  }
0x8b: {  	s3 =	simm.s32 $0x50;
	s21 =	simm.s32 $0x1720;
	[sflag:s22] =	ssyncadd.s32 $0xFFFFEC00  }
0x8c: {  	[spmem:s4] =	stream.indirect.scatter.add.f32 [tilespmem:s21], [sflag:$0x11], $0x80, s3, s11, $0xb8;
	[tilespmem:$0x1DFB0] =	vst v63  }
0x8d: {  	s24 =	simm.s32 $0xD  }
0x8e: {  	[spmem:s17] =	stream.indirect.scatter.add.f32 [tilespmem:s1], [sflag:$0x11], $0x10, s3, s11, $0xb8;
	[tilespmem:$0x1DFB0] =	vst v63  }
0x8f: {  	_ =	swait.ge [sflag:s24], $0x1400  }
0x90: {  	[sflag:s24] =	ssyncset.done $0x0  }
0x91: {  	s6 =	simm.s32 $0xA0;
	s7 =	simm.s32 $0x2B20;
	[sflag:s24] =	ssyncadd.s32 $0xFFFFEC00  }
0x92: {  	[spmem:s4] =	stream.indirect.scatter.add.f32 [tilespmem:s7], [sflag:$0x12], $0x80, s6, s11, $0xb8;
	[tilespmem:$0x1DFB0] =	vst v63  }
0x93: {  	s0 =	simm.s32 $0xE  }
0x94: {  	[spmem:s17] =	stream.indirect.scatter.add.f32 [tilespmem:s1], [sflag:$0x12], $0x10, s6, s11, $0xb8;
	[tilespmem:$0x1DFB0] =	vst v63  }
0x95: {  	_ =	swait.ge [sflag:s0], $0x1400  }
0x96: {  	[sflag:s0] =	ssyncset.done $0x0  }
0x97: {  	s9 =	simm.s32 $0xF0;
	s3 =	simm.s32 $0x3F20;
	[sflag:s0] =	ssyncadd.s32 $0xFFFFEC00  }
0x98: {  	[spmem:s4] =	stream.indirect.scatter.add.f32 [tilespmem:s3], [sflag:$0x13], $0x80, s9, s11, $0xb8;
	[tilespmem:$0x1DFB0] =	vst v63  }
0x99: {  	s6 =	simm.s32 $0xF  }
0x9a: {  	[spmem:s17] =	stream.indirect.scatter.add.f32 [tilespmem:s1], [sflag:$0x13], $0x10, s9, s11, $0xb8;
	[tilespmem:$0x1DFB0] =	vst v63  }
0x9b: {  	_ =	swait.ge [sflag:s6], $0x1400  }
0x9c: {  	[sflag:s6] =	ssyncset.done $0x0  }
0x9d: {  	s10 =	simm.s32 $0x140;
	[sflag:s6] =	ssyncadd.s32 $0xFFFFEC00  }
0x9e: {  	[spmem:s4] =	stream.indirect.scatter.add.f32 [tilespmem:s12], [sflag:$0x14], $0x80, s10, s11, $0xb8;
	[tilespmem:$0x1DFB0] =	vst v63  }
0x9f: {  	_ = 	snop  }
0xa0: {  	[spmem:s17] =	stream.indirect.scatter.add.f32 [tilespmem:s1], [sflag:$0x14], $0x10, s10, s11, $0xb8;
	[tilespmem:$0x1DFB0] =	vst v63  }
0xa1: {  	_ =	swait.ge [sflag:s25], $0x1400  }
0xa2: {  	[sflag:s25] =	ssyncset.done $0x0  }
0xa3: {  	[sflag:s25] =	ssyncadd.s32 $0xFFFFEC00  }
0xa4: {  	_ =	swait.ge [sflag:s25], $0x280  }
0xa5: {  	p0 =	seq.s32 s16, $0x4B0;
	[sflag:s25] =	ssyncset.done $0x0  }
0xa6: {  	s2 =	simm.s32 @p0 $0x6;
	[sflag:s25] =	ssyncadd.s32 $0xFFFFFD80  }
0xa7: {  	_ =	swait.ge @p0 [sflag:s2], $0x50  }
0xa8: {  	s29 =	simm.s32 @p0 $0x11;
	s7 =	simm.s32 @p0 $0x320;
	[sflag:s2] =	ssyncset.done @p0 $0x0  }
0xa9: {  	s9 =	simm.s32 @p0 $0x28;
	[sflag:s2] =	ssyncadd.s32 @p0 $0xFFFFFFB0;
	s2 =	simm.s32 @p0 $0x1B8  }
0xaa: {  	[tilespmem:s7], [sflag:$0xB] =	stream.indirect.gather @p0 [hbm4b:s18+s9], $0x80, s2, s9, $0xb8;
	[tilespmem:$0x1DFB0] =	vst v63  }
0xab: {  	_ =	swait.ge @p0 [sflag:s29], $0x1400  }
0xac: {  	[sflag:s29] =	ssyncset.done @p0 $0x0  }
0xad: {  	[sflag:s29] =	ssyncadd.s32 @p0 $0xFFFFEC00  }
0xae: {  	_ =	swait.ge @p0 [sflag:s29], $0x280  }
0xaf: {  	[sflag:s29] =	ssyncset.done @p0 $0x0  }
0xb0: {  	s23 =	smov.u32 s8;
	[sflag:s29] =	ssyncadd.s32 @p0 $0xFFFFFD80  }
0xb1: {  	s10 =	simm.s32 @!p0 $0x0;
	s2 =	sshrl.u32 @!p0 s8, $0x3;
	s7 =	rddreg [dreg:$0x1]  }
0xb2: {  	s8 =	simm.s32 @!p0 $0x4E200;
	s2 =	sadd.s32 @!p0 s7, s2;
	s7 =	simm.s32 @!p0 $0x28  }
0xb3: {  	[tilespmem:s10], [sflag:$0x1] =	stream.strided.gather @!p0 [hbm4b:s2+s7], $0x50, s8, s7, $0x38;
	[tilespmem:$0x1DFB0] =	vst v63  }
0xb4: {  	s2 =	simm.s32 @!p0 $0x6  }
0xb5: {  	_ =	swait.ge @!p0 [sflag:s2], $0x50  }
0xb6: {  	[sflag:s2] =	ssyncset.done @!p0 $0x0  }
0xb7: {  	s10 =	simm.s32 @!p0 $0x1B8;
	[sflag:s2] =	ssyncadd.s32 @!p0 $0xFFFFFFB0;
	s2 =	simm.s32 @!p0 $0x320  }
0xb8: {  	[tilespmem:s2], [sflag:$0xB] =	stream.indirect.gather @!p0 [hbm4b:s18+s7], $0x80, s10, s7, $0xb8;
	[tilespmem:$0x1DFB0] =	vst v63  }
0xb9: {  	s15 =	smov.u32 s18;
	s18 =	simm.s32 @!p0 $0x11  }
0xba: {  	_ =	swait.ge @!p0 [sflag:s18], $0x1400  }
0xbb: {  	[sflag:s18] =	ssyncset.done @!p0 $0x0  }
0xbc: {  	[sflag:s18] =	ssyncadd.s32 @!p0 $0xFFFFEC00  }
0xbd: {  	_ =	swait.ge @!p0 [sflag:s18], $0x280  }
0xbe: {  	s19 =	simm.s32 @!p0 $0x50;
	[sflag:s18] =	ssyncset.done @!p0 $0x0;
	s10 =	rddreg [dreg:$0x1a]  }
0xbf: {  	s12 =	simm.s32 $0x7;
	[sflag:s18] =	ssyncadd.s32 @!p0 $0xFFFFFD80;
	s10 =	sadd.s32 @!p0 s16, s10  }
0xc0: {  	[tilespmem:s19], [sflag:$0x2] =	stream.strided.gather @!p0 [hbm4b:s10+s7], $0x50, s8, s7, $0x38;
	[tilespmem:$0x1DFB0] =	vst v63  }
0xc1: {  	_ =	swait.ge [sflag:s12], $0x50  }
0xc2: {  	[sflag:s12] =	ssyncset.done $0x0  }
0xc3: {  	s19 =	simm.s32 $0x208;
	[sflag:s12] =	ssyncadd.s32 $0xFFFFFFB0  }
0xc4: {  	[tilespmem:s21], [sflag:$0xC] =	stream.indirect.gather [hbm4b:s15+s11], $0x80, s19, s11, $0xb8;
	[tilespmem:$0x1DFB0] =	vst v63  }
0xc5: {  	_ =	swait.ge [sflag:s28], $0x1400  }
0xc6: {  	[sflag:s28] =	ssyncset.done $0x0  }
0xc7: {  	[sflag:s28] =	ssyncadd.s32 $0xFFFFEC00  }
0xc8: {  	_ =	swait.ge [sflag:s28], $0x280  }
0xc9: {  	[sflag:s28] =	ssyncset.done $0x0  }
0xca: {  	s10 =	simm.s32 @p0 $0x8;
	[sflag:s28] =	ssyncadd.s32 $0xFFFFFD80  }
0xcb: {  	_ =	swait.ge @p0 [sflag:s10], $0x50  }
0xcc: {  	[sflag:s10] =	ssyncset.done @p0 $0x0  }
0xcd: {  	s19 =	simm.s32 @p0 $0x2B20;
	[sflag:s10] =	ssyncadd.s32 @p0 $0xFFFFFFB0;
	s10 =	simm.s32 @p0 $0x258  }
0xce: {  	[tilespmem:s19], [sflag:$0xD] =	stream.indirect.gather @p0 [hbm4b:s15+s9], $0x80, s10, s9, $0xb8;
	[tilespmem:$0x1DFB0] =	vst v63  }
0xcf: {  	s9 =	simm.s32 @p0 $0x13  }
0xd0: {  	_ =	swait.ge @p0 [sflag:s9], $0x1400  }
0xd1: {  	[sflag:s9] =	ssyncset.done @p0 $0x0  }
0xd2: {  	[sflag:s9] =	ssyncadd.s32 @p0 $0xFFFFEC00  }
0xd3: {  	_ =	swait.ge @p0 [sflag:s9], $0x280  }
0xd4: {  	[sflag:s9] =	ssyncset.done @p0 $0x0;
	s10 =	rddreg [dreg:$0x19]  }
0xd5: {  	s19 =	simm.s32 @!p0 $0xA0;
	[sflag:s9] =	ssyncadd.s32 @p0 $0xFFFFFD80;
	s10 =	sadd.s32 @!p0 s16, s10  }
0xd6: {  	[tilespmem:s19], [sflag:$0x3] =	stream.strided.gather @!p0 [hbm4b:s10+s7], $0x50, s8, s7, $0x38;
	[tilespmem:$0x1DFB0] =	vst v63  }
0xd7: {  	s10 =	simm.s32 @!p0 $0x8  }
0xd8: {  	_ =	swait.ge @!p0 [sflag:s10], $0x50  }
0xd9: {  	[sflag:s10] =	ssyncset.done @!p0 $0x0  }
0xda: {  	s19 =	simm.s32 @!p0 $0x2B20;
	[sflag:s10] =	ssyncadd.s32 @!p0 $0xFFFFFFB0;
	s10 =	simm.s32 @!p0 $0x258  }
0xdb: {  	[tilespmem:s19], [sflag:$0xD] =	stream.indirect.gather @!p0 [hbm4b:s15+s7], $0x80, s10, s7, $0xb8;
	[tilespmem:$0x1DFB0] =	vst v63  }
0xdc: {  	s10 =	simm.s32 @!p0 $0x13  }
0xdd: {  	_ =	swait.ge @!p0 [sflag:s10], $0x1400  }
0xde: {  	[sflag:s10] =	ssyncset.done @!p0 $0x0  }
0xdf: {  	[sflag:s10] =	ssyncadd.s32 @!p0 $0xFFFFEC00  }
0xe0: {  	_ =	swait.ge @!p0 [sflag:s10], $0x280  }
0xe1: {  	[sflag:s10] =	ssyncset.done @!p0 $0x0;
	s12 =	rddreg [dreg:$0x18]  }
0xe2: {  	s26 =	simm.s32 @!p0 $0xF0;
	[sflag:s10] =	ssyncadd.s32 @!p0 $0xFFFFFD80;
	s12 =	sadd.s32 @!p0 s16, s12  }
0xe3: {  	[tilespmem:s26], [sflag:$0x4] =	stream.strided.gather @!p0 [hbm4b:s12+s7], $0x50, s8, s7, $0x38;
	[tilespmem:$0x1DFB0] =	vst v63  }
0xe4: {  	s26 =	simm.s32 $0x9  }
0xe5: {  	_ =	swait.ge [sflag:s26], $0x50  }
0xe6: {  	[sflag:s26] =	ssyncset.done $0x0  }
0xe7: {  	[sflag:s26] =	ssyncadd.s32 $0xFFFFFFB0;
	s26 =	simm.s32 $0x2A8  }
0xe8: {  	[tilespmem:s3], [sflag:$0xE] =	stream.indirect.gather [hbm4b:s15+s11], $0x80, s26, s11, $0xb8;
	[tilespmem:$0x1DFB0] =	vst v63  }
0xe9: {  	_ =	swait.ge [sflag:s14], $0x1400  }
0xea: {  	[sflag:s14] =	ssyncset.done $0x0  }
0xeb: {  	[sflag:s14] =	ssyncadd.s32 $0xFFFFEC00  }
0xec: {  	_ =	swait.ge [sflag:s14], $0x280  }
0xed: {  	[sflag:s14] =	ssyncset.done $0x0;
	s12 =	rddreg [dreg:$0x17]  }
0xee: {  	s26 =	simm.s32 @!p0 $0x140;
	[sflag:s14] =	ssyncadd.s32 $0xFFFFFD80;
	s12 =	sadd.s32 @!p0 s16, s12  }
0xef: {  	[tilespmem:s26], [sflag:$0x5] =	stream.strided.gather @!p0 [hbm4b:s12+s7], $0x50, s8, s7, $0x38;
	[tilespmem:$0x1DFB0] =	vst v63  }
0xf0: {  	s26 =	simm.s32 $0xA  }
0xf1: {  	_ =	swait.ge [sflag:s26], $0x50  }
0xf2: {  	[sflag:s26] =	ssyncset.done $0x0  }
0xf3: {  	[sflag:s26] =	ssyncadd.s32 $0xFFFFFFB0;
	s26 =	simm.s32 $0x2F8  }
0xf4: {  	[tilespmem:s20], [sflag:$0xF] =	stream.indirect.gather [hbm4b:s15+s11], $0x80, s26, s11, $0xb8;
	[tilespmem:$0x1DFB0] =	vst v63  }
0xf5: {  	_ =	swait.ge [sflag:s13], $0x1400  }
0xf6: {  	[sflag:s13] =	ssyncset.done $0x0  }
0xf7: {  	s12 =	simm.s32 $0x190;
	s26 =	simm.s32 $0x320;
	[sflag:s13] =	ssyncadd.s32 $0xFFFFEC00  }
0xf8: {  	[spmem:s4] =	stream.indirect.scatter.add.f32 [tilespmem:s26], [sflag:$0x10], $0x80, s12, s11, $0xb8;
	[tilespmem:$0x1DFB0] =	vst v63  }
0xf9: {  	_ = 	snop  }
0xfa: {  	[spmem:s17] =	stream.indirect.scatter.add.f32 [tilespmem:s1], [sflag:$0x10], $0x10, s12, s11, $0xb8;
	[tilespmem:$0x1DFB0] =	vst v63  }
0xfb: {  	_ =	swait.ge [sflag:s22], $0x1400  }
0xfc: {  	[sflag:s22] =	ssyncset.done $0x0  }
0xfd: {  	s26 =	simm.s32 $0x1E0;
	[sflag:s22] =	ssyncadd.s32 $0xFFFFEC00  }
0xfe: {  	[spmem:s4] =	stream.indirect.scatter.add.f32 [tilespmem:s21], [sflag:$0x11], $0x80, s26, s11, $0xb8;
	[tilespmem:$0x1DFB0] =	vst v63  }
0xff: {  	_ = 	snop  }
0x100: {  	[spmem:s17] =	stream.indirect.scatter.add.f32 [tilespmem:s1], [sflag:$0x11], $0x10, s26, s11, $0xb8;
	[tilespmem:$0x1DFB0] =	vst v63  }
0x101: {  	_ =	swait.ge [sflag:s24], $0x1400  }
0x102: {  	[sflag:s24] =	ssyncset.done $0x0  }
0x103: {  	s26 =	simm.s32 $0x2B20;
	[sflag:s24] =	ssyncadd.s32 $0xFFFFEC00;
	s24 =	simm.s32 $0x230  }
0x104: {  	[spmem:s4] =	stream.indirect.scatter.add.f32 [tilespmem:s26], [sflag:$0x12], $0x80, s24, s11, $0xb8;
	[tilespmem:$0x1DFB0] =	vst v63  }
0x105: {  	_ = 	snop  }
0x106: {  	[spmem:s17] =	stream.indirect.scatter.add.f32 [tilespmem:s1], [sflag:$0x12], $0x10, s24, s11, $0xb8;
	[tilespmem:$0x1DFB0] =	vst v63  }
0x107: {  	_ =	swait.ge [sflag:s0], $0x1400  }
0x108: {  	[sflag:s0] =	ssyncset.done $0x0  }
0x109: {  	[sflag:s0] =	ssyncadd.s32 $0xFFFFEC00;
	s0 =	simm.s32 $0x280  }
0x10a: {  	[spmem:s4] =	stream.indirect.scatter.add.f32 [tilespmem:s3], [sflag:$0x13], $0x80, s0, s11, $0xb8;
	[tilespmem:$0x1DFB0] =	vst v63  }
0x10b: {  	_ = 	snop  }
0x10c: {  	[spmem:s17] =	stream.indirect.scatter.add.f32 [tilespmem:s1], [sflag:$0x13], $0x10, s0, s11, $0xb8;
	[tilespmem:$0x1DFB0] =	vst v63  }
0x10d: {  	_ =	swait.ge [sflag:s6], $0x1400  }
0x10e: {  	[sflag:s6] =	ssyncset.done $0x0  }
0x10f: {  	s26 =	simm.s32 $0x2D0;
	[sflag:s6] =	ssyncadd.s32 $0xFFFFEC00  }
0x110: {  	[spmem:s4] =	stream.indirect.scatter.add.f32 [tilespmem:s20], [sflag:$0x14], $0x80, s26, s11, $0xb8;
	[tilespmem:$0x1DFB0] =	vst v63  }
0x111: {  	_ = 	snop  }
0x112: {  	[spmem:s17] =	stream.indirect.scatter.add.f32 [tilespmem:s1], [sflag:$0x14], $0x10, s26, s11, $0xb8;
	[tilespmem:$0x1DFB0] =	vst v63  }
0x113: {  	_ =	swait.ge [sflag:s25], $0x1400  }
0x114: {  	[sflag:s25] =	ssyncset.done $0x0  }
0x115: {  	[sflag:s25] =	ssyncadd.s32 $0xFFFFEC00  }
0x116: {  	_ =	swait.ge [sflag:s25], $0x280  }
0x117: {  	[sflag:s25] =	ssyncset.done $0x0  }
0x118: {  	[sflag:s25] =	ssyncadd.s32 $0xFFFFFD80  }
0x119: {  	_ =	swait.ge @p0 [sflag:s29], $0x1400  }
0x11a: {  	[sflag:s29] =	ssyncset.done @p0 $0x0  }
0x11b: {  	[sflag:s29] =	ssyncadd.s32 @p0 $0xFFFFEC00  }
0x11c: {  	_ =	swait.ge @p0 [sflag:s29], $0x280  }
0x11d: {  	[sflag:s29] =	ssyncset.done @p0 $0x0;
	s12 =	rddreg [dreg:$0x16]  }
0x11e: {  	s26 =	simm.s32 @!p0 $0x190;
	[sflag:s29] =	ssyncadd.s32 @p0 $0xFFFFFD80;
	s12 =	sadd.s32 @!p0 s16, s12  }
0x11f: {  	[tilespmem:s26], [sflag:$0x6] =	stream.strided.gather @!p0 [hbm4b:s12+s7], $0x50, s8, s7, $0x38;
	[tilespmem:$0x1DFB0] =	vst v63  }
0x120: {  	s12 =	simm.s32 @!p0 $0x1  }
0x121: {  	_ =	swait.ge @!p0 [sflag:s12], $0x50  }
0x122: {  	[sflag:s12] =	ssyncset.done @!p0 $0x0  }
0x123: {  	[sflag:s12] =	ssyncadd.s32 @!p0 $0xFFFFFFB0  }
0x124: {  	[tilespmem:s2], [sflag:$0xB] =	stream.indirect.gather @!p0 [hbm4b:s15+s7], $0x80, s7, s7, $0xb8;
	[tilespmem:$0x1DFB0] =	vst v63  }
0x125: {  	_ =	swait.ge @!p0 [sflag:s18], $0x1400  }
0x126: {  	[sflag:s18] =	ssyncset.done @!p0 $0x0  }
0x127: {  	[sflag:s18] =	ssyncadd.s32 @!p0 $0xFFFFEC00  }
0x128: {  	_ =	swait.ge @!p0 [sflag:s18], $0x280  }
0x129: {  	[sflag:s18] =	ssyncset.done @!p0 $0x0;
	s2 =	rddreg [dreg:$0x15]  }
0x12a: {  	s12 =	simm.s32 @!p0 $0x1E0;
	[sflag:s18] =	ssyncadd.s32 @!p0 $0xFFFFFD80;
	s2 =	sadd.s32 @!p0 s16, s2  }
0x12b: {  	[tilespmem:s12], [sflag:$0x7] =	stream.strided.gather @!p0 [hbm4b:s2+s7], $0x50, s8, s7, $0x38;
	[tilespmem:$0x1DFB0] =	vst v63  }
0x12c: {  	s2 =	simm.s32 @!p0 $0x2  }
0x12d: {  	_ =	swait.ge @!p0 [sflag:s2], $0x50  }
0x12e: {  	[sflag:s2] =	ssyncset.done @!p0 $0x0  }
0x12f: {  	s12 =	simm.s32 @!p0 $0x1720;
	[sflag:s2] =	ssyncadd.s32 @!p0 $0xFFFFFFB0;
	s2 =	simm.s32 @!p0 $0x78  }
0x130: {  	[tilespmem:s12], [sflag:$0xC] =	stream.indirect.gather @!p0 [hbm4b:s15+s7], $0x80, s2, s7, $0xb8;
	[tilespmem:$0x1DFB0] =	vst v63  }
0x131: {  	_ =	swait.ge [sflag:s28], $0x1400  }
0x132: {  	[sflag:s28] =	ssyncset.done $0x0  }
0x133: {  	[sflag:s28] =	ssyncadd.s32 $0xFFFFEC00  }
0x134: {  	_ =	swait.ge [sflag:s28], $0x280  }
0x135: {  	[sflag:s28] =	ssyncset.done $0x0  }
0x136: {  	[sflag:s28] =	ssyncadd.s32 $0xFFFFFD80  }
0x137: {  	_ =	swait.ge @p0 [sflag:s9], $0x1400  }
0x138: {  	[sflag:s9] =	ssyncset.done @p0 $0x0  }
0x139: {  	[sflag:s9] =	ssyncadd.s32 @p0 $0xFFFFEC00  }
0x13a: {  	_ =	swait.ge @p0 [sflag:s9], $0x280  }
0x13b: {  	[sflag:s9] =	ssyncset.done @p0 $0x0;
	s2 =	rddreg [dreg:$0x14]  }
0x13c: {  	[sflag:s9] =	ssyncadd.s32 @p0 $0xFFFFFD80;
	s2 =	sadd.s32 @!p0 s16, s2;
	s9 =	simm.s32 @!p0 $0x230  }
0x13d: {  	[tilespmem:s9], [sflag:$0x8] =	stream.strided.gather @!p0 [hbm4b:s2+s7], $0x50, s8, s7, $0x38;
	[tilespmem:$0x1DFB0] =	vst v63  }
0x13e: {  	s2 =	simm.s32 @!p0 $0x3  }
0x13f: {  	_ =	swait.ge @!p0 [sflag:s2], $0x50  }
0x140: {  	[sflag:s2] =	ssyncset.done @!p0 $0x0  }
0x141: {  	[sflag:s2] =	ssyncadd.s32 @!p0 $0xFFFFFFB0;
	s2 =	simm.s32 @!p0 $0xC8  }
0x142: {  	[tilespmem:s19], [sflag:$0xD] =	stream.indirect.gather @!p0 [hbm4b:s15+s7], $0x80, s2, s7, $0xb8;
	[tilespmem:$0x1DFB0] =	vst v63  }
0x143: {  	_ =	swait.ge @!p0 [sflag:s10], $0x1400  }
0x144: {  	[sflag:s10] =	ssyncset.done @!p0 $0x0  }
0x145: {  	[sflag:s10] =	ssyncadd.s32 @!p0 $0xFFFFEC00  }
0x146: {  	_ =	swait.ge @!p0 [sflag:s10], $0x280  }
0x147: {  	[sflag:s10] =	ssyncset.done @!p0 $0x0;
	s2 =	rddreg [dreg:$0x13]  }
0x148: {  	s9 =	simm.s32 @!p0 $0x280;
	[sflag:s10] =	ssyncadd.s32 @!p0 $0xFFFFFD80;
	s2 =	sadd.s32 @!p0 s16, s2  }
0x149: {  	[tilespmem:s9], [sflag:$0x9] =	stream.strided.gather @!p0 [hbm4b:s2+s7], $0x50, s8, s7, $0x38;
	[tilespmem:$0x1DFB0] =	vst v63  }
0x14a: {  	s2 =	simm.s32 @!p0 $0x4  }
0x14b: {  	_ =	swait.ge @!p0 [sflag:s2], $0x50  }
0x14c: {  	[sflag:s2] =	ssyncset.done @!p0 $0x0  }
0x14d: {  	s8 =	simm.s32 @!p0 $0x3F20;
	[sflag:s2] =	ssyncadd.s32 @!p0 $0xFFFFFFB0;
	s2 =	simm.s32 @!p0 $0x118  }
0x14e: {  	[tilespmem:s8], [sflag:$0xE] =	stream.indirect.gather @!p0 [hbm4b:s15+s7], $0x80, s2, s7, $0xb8;
	[tilespmem:$0x1DFB0] =	vst v63  }
0x14f: {  	_ =	swait.ge [sflag:s14], $0x1400  }
.Ltmp1:
0x150: {  	[sflag:s14] =	ssyncset.done $0x0;
	(pc) =	sbr.rel @p0 .LBB2_6-.Ltmp1, $4  }
0x151: {  	s13 =	simm.s32 $0x190;
	[sflag:s14] =	ssyncadd.s32 $0xFFFFEC00  }
0x152: {  	s22 =	simm.s32 $0x1E0;
	s21 =	simm.s32 $0x230;
	_ =	swait.ge [sflag:s14], $0x280  }
0x153: {  	s24 =	simm.s32 $0x3F20;
	s3 =	simm.s32 $0x280;
	[sflag:s14] =	ssyncset.done $0x0  }
0x154: {  	s0 =	simm.s32 $0x2D0;
	s4 =	simm.s32 $0x6720;
	[sflag:s14] =	ssyncadd.s32 $0xFFFFFD80  }
0x155: {  	s2 =	rddreg [dreg:$0x12]  }
0x156: {  	s7 =	simm.s32 $0x4E200;
	s2 =	sadd.s32 s16, s2  }
0x157: {  	[tilespmem:s0], [sflag:$0xA] =	stream.strided.gather [hbm4b:s2+s11], $0x50, s7, s11, $0x38;
	[tilespmem:$0x1DFB0] =	vst v63  }
.Ltmp2:
0x158: {  	s1 =	simm.s32 $0x5;
	(pc) =	sbr.rel .LBB2_4-.Ltmp2, $4  }
0x159: {  	s18 =	smov.u32 s15;
	_ =	swait.ge [sflag:s1], $0x50  }
0x15a: {  	s29 =	simm.s32 $0x168;
	s8 =	sadd.s32 $0x190, s23;
	[sflag:s1] =	ssyncset.done $0x0  }
0x15b: {  	s12 =	simm.s32 $0x5320;
	s16 =	sadd.s32 $0x32, s16;
	[sflag:s1] =	ssyncadd.s32 $0xFFFFFFB0  }
0x15c: {  	[tilespmem:s20], [sflag:$0xF] =	stream.indirect.gather [hbm4b:s15+s11], $0x80, s29, s11, $0xb8;
	[tilespmem:$0x1DFB0] =	vst v63  }
.LBB2_6:
0x15d: {  	p0 =	sgt.u32 s5, $0xF9  }
0x15e: {  	[bflag:$0x0] =	sbarrier.arrive $0xFFFF;
	s0 =	simm.s32 @!p0 $0x69A0  }
0x15f: {  	s2 =	simm.s32 @!p0 $0x16;
	p0 =	por p0, p0;
	s26 =	rddreg [dreg:$0x10]  }
0x160: {  	[tilespmem:s0], [sflag:$0x16] =	stream.linear.gather @!p0 [spmem:s26], $0x1400, $0x38;
	[tilespmem:$0x1DFB0] =	vst v63  }
0x161: {  	_ =	swait.ge @!p0 [sflag:s2], $0x1400  }
0x162: {  	[sflag:s2] =	ssyncset.done @!p0 $0x0  }
0x163: {  	s7 =	sadd.s32 @!p0 $0x0, s31;
	s8 =	simm.s32 @!p0 $0x0;
	[sflag:s2] =	ssyncadd.s32 @!p0 $0xFFFFEC00  }
0x164: {  	[hbm4b:s7+s8] =	stream.linear.scatter @!p0 [tilespmem:s0], [sflag:$0x16], $0x1400, $0x38;
	[tilespmem:$0x1DFB0] =	vst v63  }
0x165: {  	_ =	swait.ge @!p0 [sflag:s2], $0x1400  }
0x166: {  	[sflag:s2] =	ssyncset.done @!p0 $0x0  }
0x167: {  	s8 =	simm.s32 @!p0 $0x7DA0;
	s29 =	rddreg [dreg:$0x11];
	[sflag:s2] =	ssyncadd.s32 @!p0 $0xFFFFEC00  }
0x168: {  	[tilespmem:s8], [sflag:$0x16] =	stream.linear.gather @!p0 [spmem:s29], $0x280, $0x38;
	[tilespmem:$0x1DFB0] =	vst v63  }
0x169: {  	s10 =	simm.s32 @!p0 $0x15;
	s9 =	simm.s32 @!p0 $0x80;
	_ =	swait.ge @!p0 [sflag:s2], $0x280  }
0x16a: {  	s12 =	simm.s32 @!p0 $0x10;
	s0 =	simm.s32 $0x2800;
	[sflag:s2] =	ssyncset.done @!p0 $0x0  }
0x16b: {  	s7 =	simm.s32 $0x5000;
	[sflag:s2] =	ssyncadd.s32 @!p0 $0xFFFFFD80;
	s2 =	sadd.s32 @!p0 $0x0, s30  }
0x16c: {  	[hbm4b:s2+s12] =	stream.strided.scatter @!p0 [tilespmem:s8], [sflag:$0x15], $0x280, s9, s12, $0x38;
	[tilespmem:$0x1DFB0] =	vst v63  }
0x16d: {  	s2 =	sadd.s32 $0x2800, s29;
	s9 =	sadd.s32 $0x10, s5;
	_ =	swait.ge @!p0 [sflag:s10], $0x280  }
0x16e: {  	s8 =	sadd.s32 $0x14000, s26;
	p2 =	sgt.u32 s9, $0xF9;
	[sflag:s10] =	ssyncset.done @!p0 $0x0  }
.LBB2_7:
0x16f: {  	s12 =	simm.s32 @!p2 $0x69A0;
	s16 =	simm.s32 @!p2 $0x16;
	[sflag:s10] =	ssyncadd.s32 @!p0 $0xFFFFFD80  }
0x170: {  	s18 =	smov.u32 s0;
	s0 =	smov.u32 s7;
	p0 =	por p2, p2  }
0x171: {  	[tilespmem:s12], [sflag:$0x16] =	stream.linear.gather @!p0 [spmem:s8], $0x1400, $0x38;
	[tilespmem:$0x1DFB0] =	vst v63  }
0x172: {  	s7 =	sadd.s32 $0x2800, s7;
	_ =	swait.ge @!p0 [sflag:s16], $0x1400  }
0x173: {  	p1 =	sne.s32 s7, $0x28000;
	[sflag:s16] =	ssyncset.done @!p0 $0x0  }
0x174: {  	s10 =	sadd.s32 @!p0 s18, s31;
	s19 =	simm.s32 @!p0 $0x0;
	[sflag:s16] =	ssyncadd.s32 @!p0 $0xFFFFEC00  }
0x175: {  	[hbm4b:s10+s19] =	stream.linear.scatter @!p0 [tilespmem:s12], [sflag:$0x16], $0x1400, $0x38;
	[tilespmem:$0x1DFB0] =	vst v63  }
0x176: {  	_ =	swait.ge @!p0 [sflag:s16], $0x1400  }
0x177: {  	[sflag:s16] =	ssyncset.done @!p0 $0x0  }
0x178: {  	s12 =	simm.s32 @!p0 $0x7DA0;
	[sflag:s16] =	ssyncadd.s32 @!p0 $0xFFFFEC00  }
0x179: {  	[tilespmem:s12], [sflag:$0x16] =	stream.linear.gather @!p0 [spmem:s2], $0x280, $0x38;
	[tilespmem:$0x1DFB0] =	vst v63  }
0x17a: {  	s10 =	simm.s32 @!p0 $0x15;
	_ =	swait.ge @!p0 [sflag:s16], $0x280  }
.Ltmp3:
0x17b: {  	s19 =	simm.s32 @!p0 $0x80;
	[sflag:s16] =	ssyncset.done @!p0 $0x0;
	(pc) =	sbr.rel @p1 .LBB2_7-.Ltmp3, $4  }
0x17c: {  	[sflag:s16] =	ssyncadd.s32 @!p0 $0xFFFFFD80;
	s16 =	sadd.s32 @!p0 s18, s30;
	s18 =	simm.s32 @!p0 $0x10  }
0x17d: {  	[hbm4b:s16+s18] =	stream.strided.scatter @!p0 [tilespmem:s12], [sflag:$0x15], $0x280, s19, s18, $0x38;
	[tilespmem:$0x1DFB0] =	vst v63  }
0x17e: {  	s9 =	sadd.s32 $0x10, s9;
	s2 =	sadd.s32 $0x2800, s2;
	_ =	swait.ge @!p0 [sflag:s10], $0x280  }
0x17f: {  	p2 =	sgt.u32 s9, $0xF9;
	s8 =	sadd.s32 $0x14000, s8;
	[sflag:s10] =	ssyncset.done @!p0 $0x0  }
0x180: {  	s7 =	simm.s32 @!p2 $0x69A0  }
0x181: {  	s9 =	simm.s32 @!p2 $0x16;
	[sflag:s10] =	ssyncadd.s32 @!p0 $0xFFFFFD80;
	p0 =	por p2, p2  }
0x182: {  	[tilespmem:s7], [sflag:$0x16] =	stream.linear.gather @!p0 [spmem:s8], $0x1400, $0x38;
	[tilespmem:$0x1DFB0] =	vst v63  }
0x183: {  	_ =	swait.ge @!p0 [sflag:s9], $0x1400  }
0x184: {  	[sflag:s9] =	ssyncset.done @!p0 $0x0  }
0x185: {  	s8 =	sadd.s32 @!p0 s0, s31;
	s10 =	simm.s32 @!p0 $0x0;
	[sflag:s9] =	ssyncadd.s32 @!p0 $0xFFFFEC00  }
0x186: {  	[hbm4b:s8+s10] =	stream.linear.scatter @!p0 [tilespmem:s7], [sflag:$0x16], $0x1400, $0x38;
	[tilespmem:$0x1DFB0] =	vst v63  }
0x187: {  	_ =	swait.ge @!p0 [sflag:s9], $0x1400  }
0x188: {  	[sflag:s9] =	ssyncset.done @!p0 $0x0  }
0x189: {  	s7 =	simm.s32 @!p0 $0x7DA0;
	[sflag:s9] =	ssyncadd.s32 @!p0 $0xFFFFEC00  }
0x18a: {  	[tilespmem:s7], [sflag:$0x16] =	stream.linear.gather @!p0 [spmem:s2], $0x280, $0x38;
	[tilespmem:$0x1DFB0] =	vst v63  }
0x18b: {  	_ =	swait.ge @!p0 [sflag:s9], $0x280  }
0x18c: {  	s0 =	sadd.s32 @!p0 s0, s30;
	s8 =	simm.s32 @!p0 $0x80;
	[sflag:s9] =	ssyncset.done @!p0 $0x0  }
0x18d: {  	s2 =	simm.s32 @!p0 $0x15;
	[sflag:s9] =	ssyncadd.s32 @!p0 $0xFFFFFD80;
	s9 =	simm.s32 @!p0 $0x10  }
0x18e: {  	[hbm4b:s0+s9] =	stream.strided.scatter @!p0 [tilespmem:s7], [sflag:$0x15], $0x280, s8, s9, $0x38;
	[tilespmem:$0x1DFB0] =	vst v63  }
0x18f: {  	_ =	swait.ge @!p0 [sflag:s2], $0x280  }
0x190: {  	s1 =	sld [smem:$0x7FD];
	_ =	sdelay $0x2  }
0x191: {  	s23 =	rddreg [dreg:$0xf];
	s1 =	sadd.s32 $0x1, s1  }
0x192: {  	p1 =	sne.s32 s1, s23  }
.Ltmp4:
0x193: {  	_ = 	snop;
	(pc) =	sbr.rel @p1 .LBB2_1-.Ltmp4, $3  }
0x194: {  	_ =	sdelay $0x1  }
0x195: {  	s18 =	smov.u32 s15;
	[sflag:s2] =	ssyncset.done @!p0 $0x0  }
0x196: {  	s12 =	simm.s32 $0x5320;
	s8 =	simm.s32 $0x2D0;
	[sflag:s2] =	ssyncadd.s32 @!p0 $0xFFFFFD80  }
0x197: {  	_ =	sfence.sel $0x180000  }
0x198: {  	[bflag:$0x0] =	sbarrier.arrive $0xFFFF  }
0x199: {  	_ =	strace $0x90000047  }
0x19a: {  	[bflag:$0x2] =	sbarrier.arrive $0xFFFF  }
0x19b: {  	p0 =	sne.s32 s5, $0x0;
	s0 =	rddreg [dreg:$0x5]  }
0x19c: {  	s0 =	sadd.s32 @!p0 $0x100000, s0  }
0x19d: {  	[sflag:s0] =	ssyncadd.tile.s32 @!p0 $0x1;
	_ =	shalt  }
.Lfunc_end2:
_tile_overlayer_lowered:
.L_overlay_start_2:
0x19e: {  	(tag) =	ssettag $0x2  }
0x19f: {  	s0 =	rddreg [dreg:$0x0];
	s2 =	stileid.u32  }
0x1a0: {  	s1 =	rddreg [dreg:$0x1];
	p0 =	sne.s32 s2, $0x0  }
0x1a1: {  	s3 =	rddreg [dreg:$0x2];
	[bflag:$0x3] =	sbarrier.arrive $0xFFFF;
	s2 =	simm.s32 @!p0 $0x1C15  }
0x1a2: {  	[timem:s3], [sflag:s2] =	dma.local @!p0 [hbm:s0], s1  }
0x1a3: {  	s0 =	simm.s32 @!p0 $0x15  }
0x1a4: {  	_ =	swait.ge @!p0 [sflag:s0], s1  }
0x1a5: {  	s1 =	ssub.s32 @!p0 $0x0, s1;
	[sflag:s0] =	ssyncset.done @!p0 $0x0  }
0x1a6: {  	[sflag:s0] =	ssyncadd.s32 @!p0 s1  }
0x1a7: {  	[bflag:$0x3] =	sbarrier.arrive $0xFFFF  }
0x1a8: {  	_ =	shalt  }

</sc_bundles>
